<compile_context>
chip_gen: v7x
topology: tpu7x:2x2x1
jax: 0.10.2.dev20260603
libtpu: 0.0.44.dev20260713+nightly
codegen_flags: <defaults>
</compile_context>

<pallas_src>
import functools

import jax
import jax.numpy as jnp
from jax import lax
from jax.experimental import pallas as pl
from jax.experimental.pallas import tpu as pltpu
from jax.experimental.pallas import tpu_sc as plsc

BATCH = 16384
DIM = 32

_INFO = plsc.get_sparse_core_info()
_NC = _INFO.num_cores
_NS = _INFO.num_subcores
_NW = _NC * _NS
_BPW = BATCH // _NW
_CHUNK = 128
_NCHUNK = _BPW // _CHUNK


def _gather3_body(u_idx, p_idx, n_idx, uw, iw,
                  u_out, p_out, n_out,
                  idx_u, idx_p, idx_n,
                  rows_u, rows_p, rows_n,
                  sem_u, sem_p, sem_n, sem_s):
    wid = lax.axis_index("s") * _NC + lax.axis_index("c")
    base = wid * _BPW
    cbase = wid * _NCHUNK

    pltpu.sync_copy(u_idx.at[pl.ds(cbase, _NCHUNK)], idx_u)
    pltpu.sync_copy(p_idx.at[pl.ds(cbase, _NCHUNK)], idx_p)
    pltpu.sync_copy(n_idx.at[pl.ds(cbase, _NCHUNK)], idx_n)

    gathers = []
    for idx, table, rows, sem in ((idx_u, uw, rows_u, sem_u),
                                  (idx_p, iw, rows_p, sem_p),
                                  (idx_n, iw, rows_n, sem_n)):
        for j in range(_NCHUNK):
            gathers.append(
                pltpu.async_copy(table.at[idx.at[j]],
                                 rows.at[pl.ds(j * _CHUNK, _CHUNK)], sem))

    stores = []
    for g in range(3):
        for j in range(_NCHUNK):
            gathers[g * _NCHUNK + j].wait()
        rows, out = ((rows_u, u_out), (rows_p, p_out), (rows_n, n_out))[g]
        stores.append(
            pltpu.async_copy(rows, out.at[pl.ds(base, _BPW)], sem_s))
    for s in stores:
        s.wait()


@jax.jit
def _gather3(u_idx, p_idx, n_idx, uw, iw):
    out_ty = jax.ShapeDtypeStruct((BATCH, DIM), jnp.float32)
    run = pl.kernel(
        _gather3_body,
        mesh=plsc.VectorSubcoreMesh(core_axis_name="c", subcore_axis_name="s"),
        compiler_params=pltpu.CompilerParams(use_tc_tiling_on_sc=False),
        out_type=(out_ty, out_ty, out_ty),
        scratch_types=[
            pltpu.VMEM((_NCHUNK, _CHUNK), jnp.int32),
            pltpu.VMEM((_NCHUNK, _CHUNK), jnp.int32),
            pltpu.VMEM((_NCHUNK, _CHUNK), jnp.int32),
            pltpu.VMEM((_BPW, DIM), jnp.float32),
            pltpu.VMEM((_BPW, DIM), jnp.float32),
            pltpu.VMEM((_BPW, DIM), jnp.float32),
            pltpu.SemaphoreType.DMA,
            pltpu.SemaphoreType.DMA,
            pltpu.SemaphoreType.DMA,
            pltpu.SemaphoreType.DMA,
        ],
    )
    return run(u_idx, p_idx, n_idx, uw, iw)


def kernel(users, pos_items, neg_items, user_weight, item_weight):
    u = users.astype(jnp.int32).reshape(_NW * _NCHUNK, _CHUNK)
    p = pos_items.astype(jnp.int32).reshape(_NW * _NCHUNK, _CHUNK)
    n = neg_items.astype(jnp.int32).reshape(_NW * _NCHUNK, _CHUNK)
    return _gather3(u, p, n, user_weight, item_weight)

# --- scband reference (transcript-rebuilt; emitter-appended) ---
"""Pipeline reference for scband-hyper-cml-23106924053152 (READ-ONLY COPY).

The authoritative reference and input builder live on the scoring server;
editing this copy changes nothing except your own understanding.
"""

import jax, jax.numpy as jnp
import numpy as np

N_USER = 1000000
N_ITEM = 1000000
EMBED_DIM = 32
BATCH = 16384
INIT_STD = 0.01


def setup_inputs(seed: int = 0) -> dict:
    key = jax.random.key(seed)
    k_u, k_p, k_n, k_uw, k_iw = jax.random.split(key, 5)
    users = jax.random.randint(k_u, (BATCH,), 0, N_USER, dtype=jnp.int64 if jax.config.jax_enable_x64 else jnp.int32)
    pos_items = jax.random.randint(k_p, (BATCH,), 0, N_ITEM, dtype=jnp.int64 if jax.config.jax_enable_x64 else jnp.int32)
    neg_items = jax.random.randint(k_n, (BATCH,), 0, N_ITEM, dtype=jnp.int64 if jax.config.jax_enable_x64 else jnp.int32)
    # Learned parameters: user/item embedding tables (manifold random_normal ~ N(0, init_std))
    user_weight = jax.random.normal(k_uw, (N_USER, EMBED_DIM), dtype=jnp.float32) * INIT_STD
    item_weight = jax.random.normal(k_iw, (N_ITEM, EMBED_DIM), dtype=jnp.float32) * INIT_STD
    return {
        "users": users,
        "pos_items": pos_items,
        "neg_items": neg_items,
        "user_weight": user_weight,
        "item_weight": item_weight,
    }


def reference(users, pos_items, neg_items, user_weight, item_weight):
    # HyperCML.forward: three embedding lookups; dropout is identity in eval mode.
    user_embedding = jnp.take(user_weight, users, axis=0)
    pos_item_embedding = jnp.take(item_weight, pos_items, axis=0)
    neg_item_embedding = jnp.take(item_weight, neg_items, axis=0)
    return (user_embedding, pos_item_embedding, neg_item_embedding)

if __name__ == "__main__":
    import jax
    _d = setup_inputs()
    print(jax.jit(kernel)(*tuple(_d.values())))

</pallas_src>

<mosaic_0001>
#map = affine_map<(d0, d1) -> (0, 0)>
module attributes {stable_mosaic.version = 14 : i64} {
  func.func @_gather3_body(%arg0: i32, %arg1: i32, %arg2: memref<128x128xi32, #tpu.memory_space<hbm>>, %arg3: memref<128x128xi32, #tpu.memory_space<hbm>>, %arg4: memref<128x128xi32, #tpu.memory_space<hbm>>, %arg5: memref<1000000x32xf32, #tpu.memory_space<hbm>>, %arg6: memref<1000000x32xf32, #tpu.memory_space<hbm>>, %arg7: memref<16384x32xf32, #tpu.memory_space<hbm>>, %arg8: memref<16384x32xf32, #tpu.memory_space<hbm>>, %arg9: memref<16384x32xf32, #tpu.memory_space<hbm>>, %arg10: memref<4x128xi32, #tpu.memory_space<vmem>>, %arg11: memref<4x128xi32, #tpu.memory_space<vmem>>, %arg12: memref<4x128xi32, #tpu.memory_space<vmem>>, %arg13: memref<512x32xf32, #tpu.memory_space<vmem>>, %arg14: memref<512x32xf32, #tpu.memory_space<vmem>>, %arg15: memref<512x32xf32, #tpu.memory_space<vmem>>, %arg16: memref<!tpu.dma_semaphore, #tpu.memory_space<semaphore_mem>>, %arg17: memref<!tpu.dma_semaphore, #tpu.memory_space<semaphore_mem>>, %arg18: memref<!tpu.dma_semaphore, #tpu.memory_space<semaphore_mem>>, %arg19: memref<!tpu.dma_semaphore, #tpu.memory_space<semaphore_mem>>) attributes {dimension_semantics = [#tpu.dimension_semantics<core_parallel>, #tpu.dimension_semantics<subcore_parallel>], iteration_bounds = array<i64: 2, 16>, scalar_prefetch = 0 : i64, scratch_operands = 10 : i64, tpu.core_type = #tpu.core_type<sc_vector_subcore>, window_params = [{transform_indices = #map}, {transform_indices = #map}, {transform_indices = #map}, {transform_indices = #map}, {transform_indices = #map}, {transform_indices = #map}, {transform_indices = #map}, {transform_indices = #map}]} {
    %mul3A = arith.constant 2 : i32
    %mul3A_0 = arith.muli %arg1, %mul3A : i32
    %add3A = arith.addi %mul3A_0, %arg0 : i32
    %mul3A_1 = arith.constant 512 : i32
    %mul3A_2 = arith.muli %add3A, %mul3A_1 : i32
    %mul3A_3 = arith.constant 4 : i32
    %mul3A_4 = arith.muli %add3A, %mul3A_3 : i32
    "tpu.region"() ({
      %run_scoped3A = tpu.sem_alloc : memref<!tpu.dma_semaphore, #tpu.memory_space<semaphore_mem>>
      %dma_start3A_267 = arith.constant 0 : i32
      %dma_start3A_268 = tpu.memref_slice %arg2[%mul3A_4, %dma_start3A_267] : memref<128x128xi32, #tpu.memory_space<hbm>> -> memref<4x128xi32, #tpu.memory_space<hbm>>
      %dma_start3A_269 = arith.constant 0 : i32
      %dma_start3A_270 = tpu.memref_slice %arg2[%mul3A_4, %dma_start3A_269] : memref<128x128xi32, #tpu.memory_space<hbm>> -> memref<4x128xi32, #tpu.memory_space<hbm>>
      tpu.enqueue_dma source(%dma_start3A_270 : memref<4x128xi32, #tpu.memory_space<hbm>>) target(%arg10 : memref<4x128xi32, #tpu.memory_space<vmem>>) target_semaphore(%run_scoped3A : memref<!tpu.dma_semaphore, #tpu.memory_space<semaphore_mem>>)
      %dma_wait3A_271 = arith.constant 0 : i32
      %dma_wait3A_272 = tpu.memref_slice %arg2[%mul3A_4, %dma_wait3A_271] : memref<128x128xi32, #tpu.memory_space<hbm>> -> memref<4x128xi32, #tpu.memory_space<hbm>>
      %dma_wait3A_273 = arith.constant 0 : i32
      %dma_wait3A_274 = tpu.memref_slice %arg2[%mul3A_4, %dma_wait3A_273] : memref<128x128xi32, #tpu.memory_space<hbm>> -> memref<4x128xi32, #tpu.memory_space<hbm>>
      tpu.wait_dma2 semaphore(%run_scoped3A : memref<!tpu.dma_semaphore, #tpu.memory_space<semaphore_mem>>) src(%dma_wait3A_274 : memref<4x128xi32, #tpu.memory_space<hbm>>) dst(%arg10 : memref<4x128xi32, #tpu.memory_space<vmem>>)
      tpu.yield
    }) : () -> ()
    "tpu.region"() ({
      %run_scoped3A = tpu.sem_alloc : memref<!tpu.dma_semaphore, #tpu.memory_space<semaphore_mem>>
      %dma_start3A_267 = arith.constant 0 : i32
      %dma_start3A_268 = tpu.memref_slice %arg3[%mul3A_4, %dma_start3A_267] : memref<128x128xi32, #tpu.memory_space<hbm>> -> memref<4x128xi32, #tpu.memory_space<hbm>>
      %dma_start3A_269 = arith.constant 0 : i32
      %dma_start3A_270 = tpu.memref_slice %arg3[%mul3A_4, %dma_start3A_269] : memref<128x128xi32, #tpu.memory_space<hbm>> -> memref<4x128xi32, #tpu.memory_space<hbm>>
      tpu.enqueue_dma source(%dma_start3A_270 : memref<4x128xi32, #tpu.memory_space<hbm>>) target(%arg11 : memref<4x128xi32, #tpu.memory_space<vmem>>) target_semaphore(%run_scoped3A : memref<!tpu.dma_semaphore, #tpu.memory_space<semaphore_mem>>)
      %dma_wait3A_271 = arith.constant 0 : i32
      %dma_wait3A_272 = tpu.memref_slice %arg3[%mul3A_4, %dma_wait3A_271] : memref<128x128xi32, #tpu.memory_space<hbm>> -> memref<4x128xi32, #tpu.memory_space<hbm>>
      %dma_wait3A_273 = arith.constant 0 : i32
      %dma_wait3A_274 = tpu.memref_slice %arg3[%mul3A_4, %dma_wait3A_273] : memref<128x128xi32, #tpu.memory_space<hbm>> -> memref<4x128xi32, #tpu.memory_space<hbm>>
      tpu.wait_dma2 semaphore(%run_scoped3A : memref<!tpu.dma_semaphore, #tpu.memory_space<semaphore_mem>>) src(%dma_wait3A_274 : memref<4x128xi32, #tpu.memory_space<hbm>>) dst(%arg11 : memref<4x128xi32, #tpu.memory_space<vmem>>)
      tpu.yield
    }) : () -> ()
    "tpu.region"() ({
      %run_scoped3A = tpu.sem_alloc : memref<!tpu.dma_semaphore, #tpu.memory_space<semaphore_mem>>
      %dma_start3A_267 = arith.constant 0 : i32
      %dma_start3A_268 = tpu.memref_slice %arg4[%mul3A_4, %dma_start3A_267] : memref<128x128xi32, #tpu.memory_space<hbm>> -> memref<4x128xi32, #tpu.memory_space<hbm>>
      %dma_start3A_269 = arith.constant 0 : i32
      %dma_start3A_270 = tpu.memref_slice %arg4[%mul3A_4, %dma_start3A_269] : memref<128x128xi32, #tpu.memory_space<hbm>> -> memref<4x128xi32, #tpu.memory_space<hbm>>
      tpu.enqueue_dma source(%dma_start3A_270 : memref<4x128xi32, #tpu.memory_space<hbm>>) target(%arg12 : memref<4x128xi32, #tpu.memory_space<vmem>>) target_semaphore(%run_scoped3A : memref<!tpu.dma_semaphore, #tpu.memory_space<semaphore_mem>>)
      %dma_wait3A_271 = arith.constant 0 : i32
      %dma_wait3A_272 = tpu.memref_slice %arg4[%mul3A_4, %dma_wait3A_271] : memref<128x128xi32, #tpu.memory_space<hbm>> -> memref<4x128xi32, #tpu.memory_space<hbm>>
      %dma_wait3A_273 = arith.constant 0 : i32
      %dma_wait3A_274 = tpu.memref_slice %arg4[%mul3A_4, %dma_wait3A_273] : memref<128x128xi32, #tpu.memory_space<hbm>> -> memref<4x128xi32, #tpu.memory_space<hbm>>
      tpu.wait_dma2 semaphore(%run_scoped3A : memref<!tpu.dma_semaphore, #tpu.memory_space<semaphore_mem>>) src(%dma_wait3A_274 : memref<4x128xi32, #tpu.memory_space<hbm>>) dst(%arg12 : memref<4x128xi32, #tpu.memory_space<vmem>>)
      tpu.yield
    }) : () -> ()
    %dma_start3A = arith.constant 0 : i32
    %dma_start3A_5 = arith.constant 0 : i32
    %dma_start3A_6 = arith.constant 0 : i32
    %dma_start3A_7 = tpu.memref_slice %arg13[%dma_start3A_5, %dma_start3A_6] : memref<512x32xf32, #tpu.memory_space<vmem>> -> memref<128x32xf32, #tpu.memory_space<vmem>>
    %dma_start3A_8 = arith.constant 0 : i32
    %dma_start3A_9 = tpu.memref_slice %arg10[%dma_start3A, %dma_start3A_8] : memref<4x128xi32, #tpu.memory_space<vmem>> -> memref<1x128xi32, #tpu.memory_space<vmem>>
    %dma_start3A_10 = tpu.memref_squeeze %dma_start3A_9 : memref<1x128xi32, #tpu.memory_space<vmem>> -> memref<128xi32, #tpu.memory_space<vmem>>
    %dma_start3A_11 = arith.constant 0 : i32
    %dma_start3A_12 = arith.constant 0 : i32
    %dma_start3A_13 = tpu.memref_slice %arg5[%dma_start3A_11, %dma_start3A_12] : memref<1000000x32xf32, #tpu.memory_space<hbm>> -> memref<1000000x32xf32, #tpu.memory_space<hbm>>
    tpu.enqueue_indirect_dma source(%dma_start3A_13 : memref<1000000x32xf32, #tpu.memory_space<hbm>>) target(%dma_start3A_7 : memref<128x32xf32, #tpu.memory_space<vmem>>) offsets(%dma_start3A_10 : memref<128xi32, #tpu.memory_space<vmem>>) semaphore(%arg16 : memref<!tpu.dma_semaphore, #tpu.memory_space<semaphore_mem>>)
    %dma_start3A_14 = arith.constant 1 : i32
    %dma_start3A_15 = arith.constant 128 : i32
    %dma_start3A_16 = arith.constant 0 : i32
    %dma_start3A_17 = tpu.memref_slice %arg13[%dma_start3A_15, %dma_start3A_16] : memref<512x32xf32, #tpu.memory_space<vmem>> -> memref<128x32xf32, #tpu.memory_space<vmem>>
    %dma_start3A_18 = arith.constant 0 : i32
    %dma_start3A_19 = tpu.memref_slice %arg10[%dma_start3A_14, %dma_start3A_18] : memref<4x128xi32, #tpu.memory_space<vmem>> -> memref<1x128xi32, #tpu.memory_space<vmem>>
    %dma_start3A_20 = tpu.memref_squeeze %dma_start3A_19 : memref<1x128xi32, #tpu.memory_space<vmem>> -> memref<128xi32, #tpu.memory_space<vmem>>
    %dma_start3A_21 = arith.constant 0 : i32
    %dma_start3A_22 = arith.constant 0 : i32
    %dma_start3A_23 = tpu.memref_slice %arg5[%dma_start3A_21, %dma_start3A_22] : memref<1000000x32xf32, #tpu.memory_space<hbm>> -> memref<1000000x32xf32, #tpu.memory_space<hbm>>
    tpu.enqueue_indirect_dma source(%dma_start3A_23 : memref<1000000x32xf32, #tpu.memory_space<hbm>>) target(%dma_start3A_17 : memref<128x32xf32, #tpu.memory_space<vmem>>) offsets(%dma_start3A_20 : memref<128xi32, #tpu.memory_space<vmem>>) semaphore(%arg16 : memref<!tpu.dma_semaphore, #tpu.memory_space<semaphore_mem>>)
    %dma_start3A_24 = arith.constant 2 : i32
    %dma_start3A_25 = arith.constant 256 : i32
    %dma_start3A_26 = arith.constant 0 : i32
    %dma_start3A_27 = tpu.memref_slice %arg13[%dma_start3A_25, %dma_start3A_26] : memref<512x32xf32, #tpu.memory_space<vmem>> -> memref<128x32xf32, #tpu.memory_space<vmem>>
    %dma_start3A_28 = arith.constant 0 : i32
    %dma_start3A_29 = tpu.memref_slice %arg10[%dma_start3A_24, %dma_start3A_28] : memref<4x128xi32, #tpu.memory_space<vmem>> -> memref<1x128xi32, #tpu.memory_space<vmem>>
    %dma_start3A_30 = tpu.memref_squeeze %dma_start3A_29 : memref<1x128xi32, #tpu.memory_space<vmem>> -> memref<128xi32, #tpu.memory_space<vmem>>
    %dma_start3A_31 = arith.constant 0 : i32
    %dma_start3A_32 = arith.constant 0 : i32
    %dma_start3A_33 = tpu.memref_slice %arg5[%dma_start3A_31, %dma_start3A_32] : memref<1000000x32xf32, #tpu.memory_space<hbm>> -> memref<1000000x32xf32, #tpu.memory_space<hbm>>
    tpu.enqueue_indirect_dma source(%dma_start3A_33 : memref<1000000x32xf32, #tpu.memory_space<hbm>>) target(%dma_start3A_27 : memref<128x32xf32, #tpu.memory_space<vmem>>) offsets(%dma_start3A_30 : memref<128xi32, #tpu.memory_space<vmem>>) semaphore(%arg16 : memref<!tpu.dma_semaphore, #tpu.memory_space<semaphore_mem>>)
    %dma_start3A_34 = arith.constant 3 : i32
    %dma_start3A_35 = arith.constant 384 : i32
    %dma_start3A_36 = arith.constant 0 : i32
    %dma_start3A_37 = tpu.memref_slice %arg13[%dma_start3A_35, %dma_start3A_36] : memref<512x32xf32, #tpu.memory_space<vmem>> -> memref<128x32xf32, #tpu.memory_space<vmem>>
    %dma_start3A_38 = arith.constant 0 : i32
    %dma_start3A_39 = tpu.memref_slice %arg10[%dma_start3A_34, %dma_start3A_38] : memref<4x128xi32, #tpu.memory_space<vmem>> -> memref<1x128xi32, #tpu.memory_space<vmem>>
    %dma_start3A_40 = tpu.memref_squeeze %dma_start3A_39 : memref<1x128xi32, #tpu.memory_space<vmem>> -> memref<128xi32, #tpu.memory_space<vmem>>
    %dma_start3A_41 = arith.constant 0 : i32
    %dma_start3A_42 = arith.constant 0 : i32
    %dma_start3A_43 = tpu.memref_slice %arg5[%dma_start3A_41, %dma_start3A_42] : memref<1000000x32xf32, #tpu.memory_space<hbm>> -> memref<1000000x32xf32, #tpu.memory_space<hbm>>
    tpu.enqueue_indirect_dma source(%dma_start3A_43 : memref<1000000x32xf32, #tpu.memory_space<hbm>>) target(%dma_start3A_37 : memref<128x32xf32, #tpu.memory_space<vmem>>) offsets(%dma_start3A_40 : memref<128xi32, #tpu.memory_space<vmem>>) semaphore(%arg16 : memref<!tpu.dma_semaphore, #tpu.memory_space<semaphore_mem>>)
    %dma_start3A_44 = arith.constant 0 : i32
    %dma_start3A_45 = arith.constant 0 : i32
    %dma_start3A_46 = arith.constant 0 : i32
    %dma_start3A_47 = tpu.memref_slice %arg14[%dma_start3A_45, %dma_start3A_46] : memref<512x32xf32, #tpu.memory_space<vmem>> -> memref<128x32xf32, #tpu.memory_space<vmem>>
    %dma_start3A_48 = arith.constant 0 : i32
    %dma_start3A_49 = tpu.memref_slice %arg11[%dma_start3A_44, %dma_start3A_48] : memref<4x128xi32, #tpu.memory_space<vmem>> -> memref<1x128xi32, #tpu.memory_space<vmem>>
    %dma_start3A_50 = tpu.memref_squeeze %dma_start3A_49 : memref<1x128xi32, #tpu.memory_space<vmem>> -> memref<128xi32, #tpu.memory_space<vmem>>
    %dma_start3A_51 = arith.constant 0 : i32
    %dma_start3A_52 = arith.constant 0 : i32
    %dma_start3A_53 = tpu.memref_slice %arg6[%dma_start3A_51, %dma_start3A_52] : memref<1000000x32xf32, #tpu.memory_space<hbm>> -> memref<1000000x32xf32, #tpu.memory_space<hbm>>
    tpu.enqueue_indirect_dma source(%dma_start3A_53 : memref<1000000x32xf32, #tpu.memory_space<hbm>>) target(%dma_start3A_47 : memref<128x32xf32, #tpu.memory_space<vmem>>) offsets(%dma_start3A_50 : memref<128xi32, #tpu.memory_space<vmem>>) semaphore(%arg17 : memref<!tpu.dma_semaphore, #tpu.memory_space<semaphore_mem>>)
    %dma_start3A_54 = arith.constant 1 : i32
    %dma_start3A_55 = arith.constant 128 : i32
    %dma_start3A_56 = arith.constant 0 : i32
    %dma_start3A_57 = tpu.memref_slice %arg14[%dma_start3A_55, %dma_start3A_56] : memref<512x32xf32, #tpu.memory_space<vmem>> -> memref<128x32xf32, #tpu.memory_space<vmem>>
    %dma_start3A_58 = arith.constant 0 : i32
    %dma_start3A_59 = tpu.memref_slice %arg11[%dma_start3A_54, %dma_start3A_58] : memref<4x128xi32, #tpu.memory_space<vmem>> -> memref<1x128xi32, #tpu.memory_space<vmem>>
    %dma_start3A_60 = tpu.memref_squeeze %dma_start3A_59 : memref<1x128xi32, #tpu.memory_space<vmem>> -> memref<128xi32, #tpu.memory_space<vmem>>
    %dma_start3A_61 = arith.constant 0 : i32
    %dma_start3A_62 = arith.constant 0 : i32
    %dma_start3A_63 = tpu.memref_slice %arg6[%dma_start3A_61, %dma_start3A_62] : memref<1000000x32xf32, #tpu.memory_space<hbm>> -> memref<1000000x32xf32, #tpu.memory_space<hbm>>
    tpu.enqueue_indirect_dma source(%dma_start3A_63 : memref<1000000x32xf32, #tpu.memory_space<hbm>>) target(%dma_start3A_57 : memref<128x32xf32, #tpu.memory_space<vmem>>) offsets(%dma_start3A_60 : memref<128xi32, #tpu.memory_space<vmem>>) semaphore(%arg17 : memref<!tpu.dma_semaphore, #tpu.memory_space<semaphore_mem>>)
    %dma_start3A_64 = arith.constant 2 : i32
    %dma_start3A_65 = arith.constant 256 : i32
    %dma_start3A_66 = arith.constant 0 : i32
    %dma_start3A_67 = tpu.memref_slice %arg14[%dma_start3A_65, %dma_start3A_66] : memref<512x32xf32, #tpu.memory_space<vmem>> -> memref<128x32xf32, #tpu.memory_space<vmem>>
    %dma_start3A_68 = arith.constant 0 : i32
    %dma_start3A_69 = tpu.memref_slice %arg11[%dma_start3A_64, %dma_start3A_68] : memref<4x128xi32, #tpu.memory_space<vmem>> -> memref<1x128xi32, #tpu.memory_space<vmem>>
    %dma_start3A_70 = tpu.memref_squeeze %dma_start3A_69 : memref<1x128xi32, #tpu.memory_space<vmem>> -> memref<128xi32, #tpu.memory_space<vmem>>
    %dma_start3A_71 = arith.constant 0 : i32
    %dma_start3A_72 = arith.constant 0 : i32
    %dma_start3A_73 = tpu.memref_slice %arg6[%dma_start3A_71, %dma_start3A_72] : memref<1000000x32xf32, #tpu.memory_space<hbm>> -> memref<1000000x32xf32, #tpu.memory_space<hbm>>
    tpu.enqueue_indirect_dma source(%dma_start3A_73 : memref<1000000x32xf32, #tpu.memory_space<hbm>>) target(%dma_start3A_67 : memref<128x32xf32, #tpu.memory_space<vmem>>) offsets(%dma_start3A_70 : memref<128xi32, #tpu.memory_space<vmem>>) semaphore(%arg17 : memref<!tpu.dma_semaphore, #tpu.memory_space<semaphore_mem>>)
    %dma_start3A_74 = arith.constant 3 : i32
    %dma_start3A_75 = arith.constant 384 : i32
    %dma_start3A_76 = arith.constant 0 : i32
    %dma_start3A_77 = tpu.memref_slice %arg14[%dma_start3A_75, %dma_start3A_76] : memref<512x32xf32, #tpu.memory_space<vmem>> -> memref<128x32xf32, #tpu.memory_space<vmem>>
    %dma_start3A_78 = arith.constant 0 : i32
    %dma_start3A_79 = tpu.memref_slice %arg11[%dma_start3A_74, %dma_start3A_78] : memref<4x128xi32, #tpu.memory_space<vmem>> -> memref<1x128xi32, #tpu.memory_space<vmem>>
    %dma_start3A_80 = tpu.memref_squeeze %dma_start3A_79 : memref<1x128xi32, #tpu.memory_space<vmem>> -> memref<128xi32, #tpu.memory_space<vmem>>
    %dma_start3A_81 = arith.constant 0 : i32
    %dma_start3A_82 = arith.constant 0 : i32
    %dma_start3A_83 = tpu.memref_slice %arg6[%dma_start3A_81, %dma_start3A_82] : memref<1000000x32xf32, #tpu.memory_space<hbm>> -> memref<1000000x32xf32, #tpu.memory_space<hbm>>
    tpu.enqueue_indirect_dma source(%dma_start3A_83 : memref<1000000x32xf32, #tpu.memory_space<hbm>>) target(%dma_start3A_77 : memref<128x32xf32, #tpu.memory_space<vmem>>) offsets(%dma_start3A_80 : memref<128xi32, #tpu.memory_space<vmem>>) semaphore(%arg17 : memref<!tpu.dma_semaphore, #tpu.memory_space<semaphore_mem>>)
    %dma_start3A_84 = arith.constant 0 : i32
    %dma_start3A_85 = arith.constant 0 : i32
    %dma_start3A_86 = arith.constant 0 : i32
    %dma_start3A_87 = tpu.memref_slice %arg15[%dma_start3A_85, %dma_start3A_86] : memref<512x32xf32, #tpu.memory_space<vmem>> -> memref<128x32xf32, #tpu.memory_space<vmem>>
    %dma_start3A_88 = arith.constant 0 : i32
    %dma_start3A_89 = tpu.memref_slice %arg12[%dma_start3A_84, %dma_start3A_88] : memref<4x128xi32, #tpu.memory_space<vmem>> -> memref<1x128xi32, #tpu.memory_space<vmem>>
    %dma_start3A_90 = tpu.memref_squeeze %dma_start3A_89 : memref<1x128xi32, #tpu.memory_space<vmem>> -> memref<128xi32, #tpu.memory_space<vmem>>
    %dma_start3A_91 = arith.constant 0 : i32
    %dma_start3A_92 = arith.constant 0 : i32
    %dma_start3A_93 = tpu.memref_slice %arg6[%dma_start3A_91, %dma_start3A_92] : memref<1000000x32xf32, #tpu.memory_space<hbm>> -> memref<1000000x32xf32, #tpu.memory_space<hbm>>
    tpu.enqueue_indirect_dma source(%dma_start3A_93 : memref<1000000x32xf32, #tpu.memory_space<hbm>>) target(%dma_start3A_87 : memref<128x32xf32, #tpu.memory_space<vmem>>) offsets(%dma_start3A_90 : memref<128xi32, #tpu.memory_space<vmem>>) semaphore(%arg18 : memref<!tpu.dma_semaphore, #tpu.memory_space<semaphore_mem>>)
    %dma_start3A_94 = arith.constant 1 : i32
    %dma_start3A_95 = arith.constant 128 : i32
    %dma_start3A_96 = arith.constant 0 : i32
    %dma_start3A_97 = tpu.memref_slice %arg15[%dma_start3A_95, %dma_start3A_96] : memref<512x32xf32, #tpu.memory_space<vmem>> -> memref<128x32xf32, #tpu.memory_space<vmem>>
    %dma_start3A_98 = arith.constant 0 : i32
    %dma_start3A_99 = tpu.memref_slice %arg12[%dma_start3A_94, %dma_start3A_98] : memref<4x128xi32, #tpu.memory_space<vmem>> -> memref<1x128xi32, #tpu.memory_space<vmem>>
    %dma_start3A_100 = tpu.memref_squeeze %dma_start3A_99 : memref<1x128xi32, #tpu.memory_space<vmem>> -> memref<128xi32, #tpu.memory_space<vmem>>
    %dma_start3A_101 = arith.constant 0 : i32
    %dma_start3A_102 = arith.constant 0 : i32
    %dma_start3A_103 = tpu.memref_slice %arg6[%dma_start3A_101, %dma_start3A_102] : memref<1000000x32xf32, #tpu.memory_space<hbm>> -> memref<1000000x32xf32, #tpu.memory_space<hbm>>
    tpu.enqueue_indirect_dma source(%dma_start3A_103 : memref<1000000x32xf32, #tpu.memory_space<hbm>>) target(%dma_start3A_97 : memref<128x32xf32, #tpu.memory_space<vmem>>) offsets(%dma_start3A_100 : memref<128xi32, #tpu.memory_space<vmem>>) semaphore(%arg18 : memref<!tpu.dma_semaphore, #tpu.memory_space<semaphore_mem>>)
    %dma_start3A_104 = arith.constant 2 : i32
    %dma_start3A_105 = arith.constant 256 : i32
    %dma_start3A_106 = arith.constant 0 : i32
    %dma_start3A_107 = tpu.memref_slice %arg15[%dma_start3A_105, %dma_start3A_106] : memref<512x32xf32, #tpu.memory_space<vmem>> -> memref<128x32xf32, #tpu.memory_space<vmem>>
    %dma_start3A_108 = arith.constant 0 : i32
    %dma_start3A_109 = tpu.memref_slice %arg12[%dma_start3A_104, %dma_start3A_108] : memref<4x128xi32, #tpu.memory_space<vmem>> -> memref<1x128xi32, #tpu.memory_space<vmem>>
    %dma_start3A_110 = tpu.memref_squeeze %dma_start3A_109 : memref<1x128xi32, #tpu.memory_space<vmem>> -> memref<128xi32, #tpu.memory_space<vmem>>
    %dma_start3A_111 = arith.constant 0 : i32
    %dma_start3A_112 = arith.constant 0 : i32
    %dma_start3A_113 = tpu.memref_slice %arg6[%dma_start3A_111, %dma_start3A_112] : memref<1000000x32xf32, #tpu.memory_space<hbm>> -> memref<1000000x32xf32, #tpu.memory_space<hbm>>
    tpu.enqueue_indirect_dma source(%dma_start3A_113 : memref<1000000x32xf32, #tpu.memory_space<hbm>>) target(%dma_start3A_107 : memref<128x32xf32, #tpu.memory_space<vmem>>) offsets(%dma_start3A_110 : memref<128xi32, #tpu.memory_space<vmem>>) semaphore(%arg18 : memref<!tpu.dma_semaphore, #tpu.memory_space<semaphore_mem>>)
    %dma_start3A_114 = arith.constant 3 : i32
    %dma_start3A_115 = arith.constant 384 : i32
    %dma_start3A_116 = arith.constant 0 : i32
    %dma_start3A_117 = tpu.memref_slice %arg15[%dma_start3A_115, %dma_start3A_116] : memref<512x32xf32, #tpu.memory_space<vmem>> -> memref<128x32xf32, #tpu.memory_space<vmem>>
    %dma_start3A_118 = arith.constant 0 : i32
    %dma_start3A_119 = tpu.memref_slice %arg12[%dma_start3A_114, %dma_start3A_118] : memref<4x128xi32, #tpu.memory_space<vmem>> -> memref<1x128xi32, #tpu.memory_space<vmem>>
    %dma_start3A_120 = tpu.memref_squeeze %dma_start3A_119 : memref<1x128xi32, #tpu.memory_space<vmem>> -> memref<128xi32, #tpu.memory_space<vmem>>
    %dma_start3A_121 = arith.constant 0 : i32
    %dma_start3A_122 = arith.constant 0 : i32
    %dma_start3A_123 = tpu.memref_slice %arg6[%dma_start3A_121, %dma_start3A_122] : memref<1000000x32xf32, #tpu.memory_space<hbm>> -> memref<1000000x32xf32, #tpu.memory_space<hbm>>
    tpu.enqueue_indirect_dma source(%dma_start3A_123 : memref<1000000x32xf32, #tpu.memory_space<hbm>>) target(%dma_start3A_117 : memref<128x32xf32, #tpu.memory_space<vmem>>) offsets(%dma_start3A_120 : memref<128xi32, #tpu.memory_space<vmem>>) semaphore(%arg18 : memref<!tpu.dma_semaphore, #tpu.memory_space<semaphore_mem>>)
    %dma_wait3A = arith.constant 0 : i32
    %dma_wait3A_124 = arith.constant 0 : i32
    %dma_wait3A_125 = arith.constant 0 : i32
    %dma_wait3A_126 = tpu.memref_slice %arg13[%dma_wait3A_124, %dma_wait3A_125] : memref<512x32xf32, #tpu.memory_space<vmem>> -> memref<128x32xf32, #tpu.memory_space<vmem>>
    %dma_wait3A_127 = arith.constant 0 : i32
    %dma_wait3A_128 = tpu.memref_slice %arg10[%dma_wait3A, %dma_wait3A_127] : memref<4x128xi32, #tpu.memory_space<vmem>> -> memref<1x128xi32, #tpu.memory_space<vmem>>
    %dma_wait3A_129 = tpu.memref_squeeze %dma_wait3A_128 : memref<1x128xi32, #tpu.memory_space<vmem>> -> memref<128xi32, #tpu.memory_space<vmem>>
    %dma_wait3A_130 = arith.constant 0 : i32
    %dma_wait3A_131 = arith.constant 0 : i32
    %dma_wait3A_132 = tpu.memref_slice %arg5[%dma_wait3A_130, %dma_wait3A_131] : memref<1000000x32xf32, #tpu.memory_space<hbm>> -> memref<1000000x32xf32, #tpu.memory_space<hbm>>
    tpu.wait_indirect_dma semaphore(%arg16 : memref<!tpu.dma_semaphore, #tpu.memory_space<semaphore_mem>>) src(%dma_wait3A_132 : memref<1000000x32xf32, #tpu.memory_space<hbm>>) dst(%dma_wait3A_126 : memref<128x32xf32, #tpu.memory_space<vmem>>)
    %dma_wait3A_133 = arith.constant 1 : i32
    %dma_wait3A_134 = arith.constant 128 : i32
    %dma_wait3A_135 = arith.constant 0 : i32
    %dma_wait3A_136 = tpu.memref_slice %arg13[%dma_wait3A_134, %dma_wait3A_135] : memref<512x32xf32, #tpu.memory_space<vmem>> -> memref<128x32xf32, #tpu.memory_space<vmem>>
    %dma_wait3A_137 = arith.constant 0 : i32
    %dma_wait3A_138 = tpu.memref_slice %arg10[%dma_wait3A_133, %dma_wait3A_137] : memref<4x128xi32, #tpu.memory_space<vmem>> -> memref<1x128xi32, #tpu.memory_space<vmem>>
    %dma_wait3A_139 = tpu.memref_squeeze %dma_wait3A_138 : memref<1x128xi32, #tpu.memory_space<vmem>> -> memref<128xi32, #tpu.memory_space<vmem>>
    %dma_wait3A_140 = arith.constant 0 : i32
    %dma_wait3A_141 = arith.constant 0 : i32
    %dma_wait3A_142 = tpu.memref_slice %arg5[%dma_wait3A_140, %dma_wait3A_141] : memref<1000000x32xf32, #tpu.memory_space<hbm>> -> memref<1000000x32xf32, #tpu.memory_space<hbm>>
    tpu.wait_indirect_dma semaphore(%arg16 : memref<!tpu.dma_semaphore, #tpu.memory_space<semaphore_mem>>) src(%dma_wait3A_142 : memref<1000000x32xf32, #tpu.memory_space<hbm>>) dst(%dma_wait3A_136 : memref<128x32xf32, #tpu.memory_space<vmem>>)
    %dma_wait3A_143 = arith.constant 2 : i32
    %dma_wait3A_144 = arith.constant 256 : i32
    %dma_wait3A_145 = arith.constant 0 : i32
    %dma_wait3A_146 = tpu.memref_slice %arg13[%dma_wait3A_144, %dma_wait3A_145] : memref<512x32xf32, #tpu.memory_space<vmem>> -> memref<128x32xf32, #tpu.memory_space<vmem>>
    %dma_wait3A_147 = arith.constant 0 : i32
    %dma_wait3A_148 = tpu.memref_slice %arg10[%dma_wait3A_143, %dma_wait3A_147] : memref<4x128xi32, #tpu.memory_space<vmem>> -> memref<1x128xi32, #tpu.memory_space<vmem>>
    %dma_wait3A_149 = tpu.memref_squeeze %dma_wait3A_148 : memref<1x128xi32, #tpu.memory_space<vmem>> -> memref<128xi32, #tpu.memory_space<vmem>>
    %dma_wait3A_150 = arith.constant 0 : i32
    %dma_wait3A_151 = arith.constant 0 : i32
    %dma_wait3A_152 = tpu.memref_slice %arg5[%dma_wait3A_150, %dma_wait3A_151] : memref<1000000x32xf32, #tpu.memory_space<hbm>> -> memref<1000000x32xf32, #tpu.memory_space<hbm>>
    tpu.wait_indirect_dma semaphore(%arg16 : memref<!tpu.dma_semaphore, #tpu.memory_space<semaphore_mem>>) src(%dma_wait3A_152 : memref<1000000x32xf32, #tpu.memory_space<hbm>>) dst(%dma_wait3A_146 : memref<128x32xf32, #tpu.memory_space<vmem>>)
    %dma_wait3A_153 = arith.constant 3 : i32
    %dma_wait3A_154 = arith.constant 384 : i32
    %dma_wait3A_155 = arith.constant 0 : i32
    %dma_wait3A_156 = tpu.memref_slice %arg13[%dma_wait3A_154, %dma_wait3A_155] : memref<512x32xf32, #tpu.memory_space<vmem>> -> memref<128x32xf32, #tpu.memory_space<vmem>>
    %dma_wait3A_157 = arith.constant 0 : i32
    %dma_wait3A_158 = tpu.memref_slice %arg10[%dma_wait3A_153, %dma_wait3A_157] : memref<4x128xi32, #tpu.memory_space<vmem>> -> memref<1x128xi32, #tpu.memory_space<vmem>>
    %dma_wait3A_159 = tpu.memref_squeeze %dma_wait3A_158 : memref<1x128xi32, #tpu.memory_space<vmem>> -> memref<128xi32, #tpu.memory_space<vmem>>
    %dma_wait3A_160 = arith.constant 0 : i32
    %dma_wait3A_161 = arith.constant 0 : i32
    %dma_wait3A_162 = tpu.memref_slice %arg5[%dma_wait3A_160, %dma_wait3A_161] : memref<1000000x32xf32, #tpu.memory_space<hbm>> -> memref<1000000x32xf32, #tpu.memory_space<hbm>>
    tpu.wait_indirect_dma semaphore(%arg16 : memref<!tpu.dma_semaphore, #tpu.memory_space<semaphore_mem>>) src(%dma_wait3A_162 : memref<1000000x32xf32, #tpu.memory_space<hbm>>) dst(%dma_wait3A_156 : memref<128x32xf32, #tpu.memory_space<vmem>>)
    %dma_start3A_163 = arith.constant 0 : i32
    %dma_start3A_164 = tpu.memref_slice %arg7[%mul3A_2, %dma_start3A_163] : memref<16384x32xf32, #tpu.memory_space<hbm>> -> memref<512x32xf32, #tpu.memory_space<hbm>>
    %dma_start3A_165 = arith.constant 0 : i32
    %dma_start3A_166 = tpu.memref_slice %arg7[%mul3A_2, %dma_start3A_165] : memref<16384x32xf32, #tpu.memory_space<hbm>> -> memref<512x32xf32, #tpu.memory_space<hbm>>
    tpu.enqueue_dma source(%arg13 : memref<512x32xf32, #tpu.memory_space<vmem>>) target(%dma_start3A_166 : memref<512x32xf32, #tpu.memory_space<hbm>>) target_semaphore(%arg19 : memref<!tpu.dma_semaphore, #tpu.memory_space<semaphore_mem>>)
    %dma_wait3A_167 = arith.constant 0 : i32
    %dma_wait3A_168 = arith.constant 0 : i32
    %dma_wait3A_169 = arith.constant 0 : i32
    %dma_wait3A_170 = tpu.memref_slice %arg14[%dma_wait3A_168, %dma_wait3A_169] : memref<512x32xf32, #tpu.memory_space<vmem>> -> memref<128x32xf32, #tpu.memory_space<vmem>>
    %dma_wait3A_171 = arith.constant 0 : i32
    %dma_wait3A_172 = tpu.memref_slice %arg11[%dma_wait3A_167, %dma_wait3A_171] : memref<4x128xi32, #tpu.memory_space<vmem>> -> memref<1x128xi32, #tpu.memory_space<vmem>>
    %dma_wait3A_173 = tpu.memref_squeeze %dma_wait3A_172 : memref<1x128xi32, #tpu.memory_space<vmem>> -> memref<128xi32, #tpu.memory_space<vmem>>
    %dma_wait3A_174 = arith.constant 0 : i32
    %dma_wait3A_175 = arith.constant 0 : i32
    %dma_wait3A_176 = tpu.memref_slice %arg6[%dma_wait3A_174, %dma_wait3A_175] : memref<1000000x32xf32, #tpu.memory_space<hbm>> -> memref<1000000x32xf32, #tpu.memory_space<hbm>>
    tpu.wait_indirect_dma semaphore(%arg17 : memref<!tpu.dma_semaphore, #tpu.memory_space<semaphore_mem>>) src(%dma_wait3A_176 : memref<1000000x32xf32, #tpu.memory_space<hbm>>) dst(%dma_wait3A_170 : memref<128x32xf32, #tpu.memory_space<vmem>>)
    %dma_wait3A_177 = arith.constant 1 : i32
    %dma_wait3A_178 = arith.constant 128 : i32
    %dma_wait3A_179 = arith.constant 0 : i32
    %dma_wait3A_180 = tpu.memref_slice %arg14[%dma_wait3A_178, %dma_wait3A_179] : memref<512x32xf32, #tpu.memory_space<vmem>> -> memref<128x32xf32, #tpu.memory_space<vmem>>
    %dma_wait3A_181 = arith.constant 0 : i32
    %dma_wait3A_182 = tpu.memref_slice %arg11[%dma_wait3A_177, %dma_wait3A_181] : memref<4x128xi32, #tpu.memory_space<vmem>> -> memref<1x128xi32, #tpu.memory_space<vmem>>
    %dma_wait3A_183 = tpu.memref_squeeze %dma_wait3A_182 : memref<1x128xi32, #tpu.memory_space<vmem>> -> memref<128xi32, #tpu.memory_space<vmem>>
    %dma_wait3A_184 = arith.constant 0 : i32
    %dma_wait3A_185 = arith.constant 0 : i32
    %dma_wait3A_186 = tpu.memref_slice %arg6[%dma_wait3A_184, %dma_wait3A_185] : memref<1000000x32xf32, #tpu.memory_space<hbm>> -> memref<1000000x32xf32, #tpu.memory_space<hbm>>
    tpu.wait_indirect_dma semaphore(%arg17 : memref<!tpu.dma_semaphore, #tpu.memory_space<semaphore_mem>>) src(%dma_wait3A_186 : memref<1000000x32xf32, #tpu.memory_space<hbm>>) dst(%dma_wait3A_180 : memref<128x32xf32, #tpu.memory_space<vmem>>)
    %dma_wait3A_187 = arith.constant 2 : i32
    %dma_wait3A_188 = arith.constant 256 : i32
    %dma_wait3A_189 = arith.constant 0 : i32
    %dma_wait3A_190 = tpu.memref_slice %arg14[%dma_wait3A_188, %dma_wait3A_189] : memref<512x32xf32, #tpu.memory_space<vmem>> -> memref<128x32xf32, #tpu.memory_space<vmem>>
    %dma_wait3A_191 = arith.constant 0 : i32
    %dma_wait3A_192 = tpu.memref_slice %arg11[%dma_wait3A_187, %dma_wait3A_191] : memref<4x128xi32, #tpu.memory_space<vmem>> -> memref<1x128xi32, #tpu.memory_space<vmem>>
    %dma_wait3A_193 = tpu.memref_squeeze %dma_wait3A_192 : memref<1x128xi32, #tpu.memory_space<vmem>> -> memref<128xi32, #tpu.memory_space<vmem>>
    %dma_wait3A_194 = arith.constant 0 : i32
    %dma_wait3A_195 = arith.constant 0 : i32
    %dma_wait3A_196 = tpu.memref_slice %arg6[%dma_wait3A_194, %dma_wait3A_195] : memref<1000000x32xf32, #tpu.memory_space<hbm>> -> memref<1000000x32xf32, #tpu.memory_space<hbm>>
    tpu.wait_indirect_dma semaphore(%arg17 : memref<!tpu.dma_semaphore, #tpu.memory_space<semaphore_mem>>) src(%dma_wait3A_196 : memref<1000000x32xf32, #tpu.memory_space<hbm>>) dst(%dma_wait3A_190 : memref<128x32xf32, #tpu.memory_space<vmem>>)
    %dma_wait3A_197 = arith.constant 3 : i32
    %dma_wait3A_198 = arith.constant 384 : i32
    %dma_wait3A_199 = arith.constant 0 : i32
    %dma_wait3A_200 = tpu.memref_slice %arg14[%dma_wait3A_198, %dma_wait3A_199] : memref<512x32xf32, #tpu.memory_space<vmem>> -> memref<128x32xf32, #tpu.memory_space<vmem>>
    %dma_wait3A_201 = arith.constant 0 : i32
    %dma_wait3A_202 = tpu.memref_slice %arg11[%dma_wait3A_197, %dma_wait3A_201] : memref<4x128xi32, #tpu.memory_space<vmem>> -> memref<1x128xi32, #tpu.memory_space<vmem>>
    %dma_wait3A_203 = tpu.memref_squeeze %dma_wait3A_202 : memref<1x128xi32, #tpu.memory_space<vmem>> -> memref<128xi32, #tpu.memory_space<vmem>>
    %dma_wait3A_204 = arith.constant 0 : i32
    %dma_wait3A_205 = arith.constant 0 : i32
    %dma_wait3A_206 = tpu.memref_slice %arg6[%dma_wait3A_204, %dma_wait3A_205] : memref<1000000x32xf32, #tpu.memory_space<hbm>> -> memref<1000000x32xf32, #tpu.memory_space<hbm>>
    tpu.wait_indirect_dma semaphore(%arg17 : memref<!tpu.dma_semaphore, #tpu.memory_space<semaphore_mem>>) src(%dma_wait3A_206 : memref<1000000x32xf32, #tpu.memory_space<hbm>>) dst(%dma_wait3A_200 : memref<128x32xf32, #tpu.memory_space<vmem>>)
    %dma_start3A_207 = arith.constant 0 : i32
    %dma_start3A_208 = tpu.memref_slice %arg8[%mul3A_2, %dma_start3A_207] : memref<16384x32xf32, #tpu.memory_space<hbm>> -> memref<512x32xf32, #tpu.memory_space<hbm>>
    %dma_start3A_209 = arith.constant 0 : i32
    %dma_start3A_210 = tpu.memref_slice %arg8[%mul3A_2, %dma_start3A_209] : memref<16384x32xf32, #tpu.memory_space<hbm>> -> memref<512x32xf32, #tpu.memory_space<hbm>>
    tpu.enqueue_dma source(%arg14 : memref<512x32xf32, #tpu.memory_space<vmem>>) target(%dma_start3A_210 : memref<512x32xf32, #tpu.memory_space<hbm>>) target_semaphore(%arg19 : memref<!tpu.dma_semaphore, #tpu.memory_space<semaphore_mem>>)
    %dma_wait3A_211 = arith.constant 0 : i32
    %dma_wait3A_212 = arith.constant 0 : i32
    %dma_wait3A_213 = arith.constant 0 : i32
    %dma_wait3A_214 = tpu.memref_slice %arg15[%dma_wait3A_212, %dma_wait3A_213] : memref<512x32xf32, #tpu.memory_space<vmem>> -> memref<128x32xf32, #tpu.memory_space<vmem>>
    %dma_wait3A_215 = arith.constant 0 : i32
    %dma_wait3A_216 = tpu.memref_slice %arg12[%dma_wait3A_211, %dma_wait3A_215] : memref<4x128xi32, #tpu.memory_space<vmem>> -> memref<1x128xi32, #tpu.memory_space<vmem>>
    %dma_wait3A_217 = tpu.memref_squeeze %dma_wait3A_216 : memref<1x128xi32, #tpu.memory_space<vmem>> -> memref<128xi32, #tpu.memory_space<vmem>>
    %dma_wait3A_218 = arith.constant 0 : i32
    %dma_wait3A_219 = arith.constant 0 : i32
    %dma_wait3A_220 = tpu.memref_slice %arg6[%dma_wait3A_218, %dma_wait3A_219] : memref<1000000x32xf32, #tpu.memory_space<hbm>> -> memref<1000000x32xf32, #tpu.memory_space<hbm>>
    tpu.wait_indirect_dma semaphore(%arg18 : memref<!tpu.dma_semaphore, #tpu.memory_space<semaphore_mem>>) src(%dma_wait3A_220 : memref<1000000x32xf32, #tpu.memory_space<hbm>>) dst(%dma_wait3A_214 : memref<128x32xf32, #tpu.memory_space<vmem>>)
    %dma_wait3A_221 = arith.constant 1 : i32
    %dma_wait3A_222 = arith.constant 128 : i32
    %dma_wait3A_223 = arith.constant 0 : i32
    %dma_wait3A_224 = tpu.memref_slice %arg15[%dma_wait3A_222, %dma_wait3A_223] : memref<512x32xf32, #tpu.memory_space<vmem>> -> memref<128x32xf32, #tpu.memory_space<vmem>>
    %dma_wait3A_225 = arith.constant 0 : i32
    %dma_wait3A_226 = tpu.memref_slice %arg12[%dma_wait3A_221, %dma_wait3A_225] : memref<4x128xi32, #tpu.memory_space<vmem>> -> memref<1x128xi32, #tpu.memory_space<vmem>>
    %dma_wait3A_227 = tpu.memref_squeeze %dma_wait3A_226 : memref<1x128xi32, #tpu.memory_space<vmem>> -> memref<128xi32, #tpu.memory_space<vmem>>
    %dma_wait3A_228 = arith.constant 0 : i32
    %dma_wait3A_229 = arith.constant 0 : i32
    %dma_wait3A_230 = tpu.memref_slice %arg6[%dma_wait3A_228, %dma_wait3A_229] : memref<1000000x32xf32, #tpu.memory_space<hbm>> -> memref<1000000x32xf32, #tpu.memory_space<hbm>>
    tpu.wait_indirect_dma semaphore(%arg18 : memref<!tpu.dma_semaphore, #tpu.memory_space<semaphore_mem>>) src(%dma_wait3A_230 : memref<1000000x32xf32, #tpu.memory_space<hbm>>) dst(%dma_wait3A_224 : memref<128x32xf32, #tpu.memory_space<vmem>>)
    %dma_wait3A_231 = arith.constant 2 : i32
    %dma_wait3A_232 = arith.constant 256 : i32
    %dma_wait3A_233 = arith.constant 0 : i32
    %dma_wait3A_234 = tpu.memref_slice %arg15[%dma_wait3A_232, %dma_wait3A_233] : memref<512x32xf32, #tpu.memory_space<vmem>> -> memref<128x32xf32, #tpu.memory_space<vmem>>
    %dma_wait3A_235 = arith.constant 0 : i32
    %dma_wait3A_236 = tpu.memref_slice %arg12[%dma_wait3A_231, %dma_wait3A_235] : memref<4x128xi32, #tpu.memory_space<vmem>> -> memref<1x128xi32, #tpu.memory_space<vmem>>
    %dma_wait3A_237 = tpu.memref_squeeze %dma_wait3A_236 : memref<1x128xi32, #tpu.memory_space<vmem>> -> memref<128xi32, #tpu.memory_space<vmem>>
    %dma_wait3A_238 = arith.constant 0 : i32
    %dma_wait3A_239 = arith.constant 0 : i32
    %dma_wait3A_240 = tpu.memref_slice %arg6[%dma_wait3A_238, %dma_wait3A_239] : memref<1000000x32xf32, #tpu.memory_space<hbm>> -> memref<1000000x32xf32, #tpu.memory_space<hbm>>
    tpu.wait_indirect_dma semaphore(%arg18 : memref<!tpu.dma_semaphore, #tpu.memory_space<semaphore_mem>>) src(%dma_wait3A_240 : memref<1000000x32xf32, #tpu.memory_space<hbm>>) dst(%dma_wait3A_234 : memref<128x32xf32, #tpu.memory_space<vmem>>)
    %dma_wait3A_241 = arith.constant 3 : i32
    %dma_wait3A_242 = arith.constant 384 : i32
    %dma_wait3A_243 = arith.constant 0 : i32
    %dma_wait3A_244 = tpu.memref_slice %arg15[%dma_wait3A_242, %dma_wait3A_243] : memref<512x32xf32, #tpu.memory_space<vmem>> -> memref<128x32xf32, #tpu.memory_space<vmem>>
    %dma_wait3A_245 = arith.constant 0 : i32
    %dma_wait3A_246 = tpu.memref_slice %arg12[%dma_wait3A_241, %dma_wait3A_245] : memref<4x128xi32, #tpu.memory_space<vmem>> -> memref<1x128xi32, #tpu.memory_space<vmem>>
    %dma_wait3A_247 = tpu.memref_squeeze %dma_wait3A_246 : memref<1x128xi32, #tpu.memory_space<vmem>> -> memref<128xi32, #tpu.memory_space<vmem>>
    %dma_wait3A_248 = arith.constant 0 : i32
    %dma_wait3A_249 = arith.constant 0 : i32
    %dma_wait3A_250 = tpu.memref_slice %arg6[%dma_wait3A_248, %dma_wait3A_249] : memref<1000000x32xf32, #tpu.memory_space<hbm>> -> memref<1000000x32xf32, #tpu.memory_space<hbm>>
    tpu.wait_indirect_dma semaphore(%arg18 : memref<!tpu.dma_semaphore, #tpu.memory_space<semaphore_mem>>) src(%dma_wait3A_250 : memref<1000000x32xf32, #tpu.memory_space<hbm>>) dst(%dma_wait3A_244 : memref<128x32xf32, #tpu.memory_space<vmem>>)
    %dma_start3A_251 = arith.constant 0 : i32
    %dma_start3A_252 = tpu.memref_slice %arg9[%mul3A_2, %dma_start3A_251] : memref<16384x32xf32, #tpu.memory_space<hbm>> -> memref<512x32xf32, #tpu.memory_space<hbm>>
    %dma_start3A_253 = arith.constant 0 : i32
    %dma_start3A_254 = tpu.memref_slice %arg9[%mul3A_2, %dma_start3A_253] : memref<16384x32xf32, #tpu.memory_space<hbm>> -> memref<512x32xf32, #tpu.memory_space<hbm>>
    tpu.enqueue_dma source(%arg15 : memref<512x32xf32, #tpu.memory_space<vmem>>) target(%dma_start3A_254 : memref<512x32xf32, #tpu.memory_space<hbm>>) target_semaphore(%arg19 : memref<!tpu.dma_semaphore, #tpu.memory_space<semaphore_mem>>)
    %dma_wait3A_255 = arith.constant 0 : i32
    %dma_wait3A_256 = tpu.memref_slice %arg7[%mul3A_2, %dma_wait3A_255] : memref<16384x32xf32, #tpu.memory_space<hbm>> -> memref<512x32xf32, #tpu.memory_space<hbm>>
    %dma_wait3A_257 = arith.constant 0 : i32
    %dma_wait3A_258 = tpu.memref_slice %arg7[%mul3A_2, %dma_wait3A_257] : memref<16384x32xf32, #tpu.memory_space<hbm>> -> memref<512x32xf32, #tpu.memory_space<hbm>>
    tpu.wait_dma2 semaphore(%arg19 : memref<!tpu.dma_semaphore, #tpu.memory_space<semaphore_mem>>) src(%arg13 : memref<512x32xf32, #tpu.memory_space<vmem>>) dst(%dma_wait3A_258 : memref<512x32xf32, #tpu.memory_space<hbm>>)
    %dma_wait3A_259 = arith.constant 0 : i32
    %dma_wait3A_260 = tpu.memref_slice %arg8[%mul3A_2, %dma_wait3A_259] : memref<16384x32xf32, #tpu.memory_space<hbm>> -> memref<512x32xf32, #tpu.memory_space<hbm>>
    %dma_wait3A_261 = arith.constant 0 : i32
    %dma_wait3A_262 = tpu.memref_slice %arg8[%mul3A_2, %dma_wait3A_261] : memref<16384x32xf32, #tpu.memory_space<hbm>> -> memref<512x32xf32, #tpu.memory_space<hbm>>
    tpu.wait_dma2 semaphore(%arg19 : memref<!tpu.dma_semaphore, #tpu.memory_space<semaphore_mem>>) src(%arg14 : memref<512x32xf32, #tpu.memory_space<vmem>>) dst(%dma_wait3A_262 : memref<512x32xf32, #tpu.memory_space<hbm>>)
    %dma_wait3A_263 = arith.constant 0 : i32
    %dma_wait3A_264 = tpu.memref_slice %arg9[%mul3A_2, %dma_wait3A_263] : memref<16384x32xf32, #tpu.memory_space<hbm>> -> memref<512x32xf32, #tpu.memory_space<hbm>>
    %dma_wait3A_265 = arith.constant 0 : i32
    %dma_wait3A_266 = tpu.memref_slice %arg9[%mul3A_2, %dma_wait3A_265] : memref<16384x32xf32, #tpu.memory_space<hbm>> -> memref<512x32xf32, #tpu.memory_space<hbm>>
    tpu.wait_dma2 semaphore(%arg19 : memref<!tpu.dma_semaphore, #tpu.memory_space<semaphore_mem>>) src(%arg15 : memref<512x32xf32, #tpu.memory_space<vmem>>) dst(%dma_wait3A_266 : memref<512x32xf32, #tpu.memory_space<hbm>>)
    return
  }
}

</mosaic_0001>

<sc_bundles>
// kernel: _gather3.3.cloned.1.call-start
scs
__scs_entry_jumppad:
0x0: {  	(pc) =	sbr.rel $0x88, $3  }
0x1: {  	(tag) =	ssettag $0x0;
	lr =	simm.s32 $0x1  }
0x2: {  	[smem:$0x3F9C] =	sst lr;
	_ =	strace $0xD0000000  }
0x3: {  	_ = 	snop  }
0x4: {  	_ = 	snop  }
0x5: {  	_ = 	snop  }
0x6: {  	_ = 	snop  }
0x7: {  	_ = 	snop  }
__scs_overlays_trampoline_lowered:
0x8: {  	[smem:$0x3FAB] =	sst s0  }
0x9: {  	[smem:$0x3FAC] =	sst s1  }
0xa: {  	[smem:$0x3FAD] =	sst s2  }
0xb: {  	[smem:$0x3FAE] =	sst s3  }
0xc: {  	[smem:$0x3FAF] =	sst s4  }
0xd: {  	[smem:$0x3FB0] =	sst s5  }
0xe: {  	[smem:$0x3FB1] =	sst s6  }
0xf: {  	[smem:$0x3FB2] =	sst s7  }
0x10: {  	[smem:$0x3FB3] =	sst s8  }
0x11: {  	[smem:$0x3FB4] =	sst s9;
	s0 =	simm.s32 @!p0 $0x0  }
0x12: {  	s1 =	sld [smem:$0x3F9A];
	s0 =	simm.s32 @p0 $0x1  }
0x13: {  	[smem:$0x3FB5] =	sst s0;
	s0 =	simm.s32 @!p1 $0x0  }
0x14: {  	s2 =	sld [smem:$0x3F99];
	s0 =	simm.s32 @p1 $0x1  }
0x15: {  	[smem:$0x3FB6] =	sst s0;
	s0 =	simm.s32 @!p2 $0x0  }
0x16: {  	s3 =	sld [smem:$0x3FDB];
	s0 =	simm.s32 @p2 $0x1  }
0x17: {  	s4 =	simm.s32 $0x1BF5;
	[smem:$0x3FB8] =	sst s0  }
0x18: {  	s0 =	sld [smem:$0x3F9B];
	_ =	swait.ge [sflag:s4], $0x0  }
0x19: {  	s7 =	sld [smem:$0x3F9C]  }
0x1a: {  	s8 =	sadd.s32 $0xFFFFE003, lr  }
0x1b: {  	s9 =	sadd.s32 $0xFFFFFEF7, lr;
	s5 =	simm.s32 $0xFFFFFFFF;
	p2 =	slt.u32 s8, $0xFFFFF086  }
0x1c: {  	p1 =	slt.u32 s9, $0xF7A;
	s5 =	simm.s32 @!p2 $0x0  }
0x1d: {  	s5 =	simm.s32 @p1 $0x1;
	p0 =	seq.s32 s7, s2  }
0x1e: {  	s7 =	smul.u32 @!p0 $0xF7A, s2;
	p2 =	seq.s32 @!p0 s5, $0x0  }
0x1f: {  	s9 =	smul.u32 $0xF7A, s1;
	s8 =	simm.s32 @!p0 $0x1BF5;
	p2 =	por !p2, p0  }
0x20: {  	[sflag:s8] =	ssyncset.s32 @!p0 $0xFFFFF086;
	s6 =	sadd.s32 @!p0 s3, s7;
	s7 =	simm.s32 @!p0 $0x108  }
0x21: {  	s3 =	sadd.s32 s3, s9;
	s6 =	sadd.s32 @!p0 $0x88, s6;
	s7 =	simm.s32 @p2 $0x1082  }
0x22: {  	[simem:s7], [sflag:s8] =	dma.local @!p0 [hbm:s6], $0xF7A  }
0x23: {  	s9 =	sor.u32 $0xD0000000, s2;
	s6 =	simm.s32 $0x108;
	_ =	swait.ge @!p0 [sflag:s8], $0x0  }
0x24: {  	s3 =	sadd.s32 $0x88, s3;
	s6 =	simm.s32 @!p1 $0x1082;
	[sflag:s4] =	ssyncset.s32 $0xFFFFF086  }
0x25: {  	[simem:s6], [sflag:s4] =	dma.local [hbm:s3], $0xF7A  }
0x26: {  	[smem:$0x3F9C] =	sst s1;
	(tag) =	ssettag s2;
	_ =	strace s9  }
0x27: {  	s1 =	sld [smem:$0x3FAC]  }
0x28: {  	s2 =	sld [smem:$0x3FAD]  }
0x29: {  	s4 =	sld [smem:$0x3FAF]  }
0x2a: {  	p0 =	seq.s32 s5, $0x0;
	s5 =	sld [smem:$0x3FB0]  }
0x2b: {  	s6 =	sld [smem:$0x3FB1]  }
0x2c: {  	s7 =	sld [smem:$0x3FB2]  }
0x2d: {  	s3 =	simm.s32 $0x108;
	s8 =	sld [smem:$0x3FB3]  }
0x2e: {  	s3 =	simm.s32 @!p0 $0x1082;
	s9 =	sld [smem:$0x3FB4]  }
0x2f: {  	lr =	sadd.s32 s0, s3;
	s0 =	sld [smem:$0x3FAB]  }
0x30: {  	s3 =	sld [smem:$0x3FAE]  }
0x31: {  	[smem:$0x3FB7] =	sst s10  }
0x32: {  	s10 =	sld [smem:$0x3FB5];
	_ =	sdelay $0x3  }
0x33: {  	p0 =	seq.s32 s10, $0x1;
	s10 =	sld [smem:$0x3FB7];
	_ =	sdelay $0x3  }
0x34: {  	[smem:$0x3FB7] =	sst s10  }
0x35: {  	s10 =	sld [smem:$0x3FB6];
	_ =	sdelay $0x3  }
0x36: {  	p1 =	seq.s32 s10, $0x1;
	s10 =	sld [smem:$0x3FB7];
	_ =	sdelay $0x3  }
0x37: {  	[smem:$0x3FB7] =	sst s10  }
0x38: {  	s10 =	sld [smem:$0x3FB8]  }
0x39: {  	_ = 	snop;
	(pc) =	sbr.ind lr, $3  }
0x3a: {  	_ = 	snop  }
0x3b: {  	_ = 	snop  }
0x3c: {  	p2 =	seq.s32 s10, $0x1;
	s10 =	sld [smem:$0x3FB7]  }
0x3d: {  	_ =	shalt  }
0x3e: {  	_ =	shalt  }
0x3f: {  	_ =	shalt  }
0x40: {  	_ =	shalt  }
0x41: {  	_ =	shalt  }
0x42: {  	_ =	shalt  }
0x43: {  	_ =	shalt  }
0x44: {  	_ =	shalt  }
0x45: {  	_ =	shalt  }
0x46: {  	_ =	shalt  }
0x47: {  	_ =	shalt  }
0x48: {  	_ =	shalt  }
0x49: {  	_ =	shalt  }
0x4a: {  	_ =	shalt  }
0x4b: {  	_ =	shalt  }
0x4c: {  	_ =	shalt  }
0x4d: {  	_ =	shalt  }
0x4e: {  	_ =	shalt  }
0x4f: {  	_ =	shalt  }
0x50: {  	_ =	shalt  }
0x51: {  	_ =	shalt  }
0x52: {  	_ =	shalt  }
0x53: {  	_ =	shalt  }
0x54: {  	_ =	shalt  }
0x55: {  	_ =	shalt  }
0x56: {  	_ =	shalt  }
0x57: {  	_ =	shalt  }
0x58: {  	_ =	shalt  }
0x59: {  	_ =	shalt  }
0x5a: {  	_ =	shalt  }
0x5b: {  	_ =	shalt  }
0x5c: {  	_ =	shalt  }
0x5d: {  	_ =	shalt  }
0x5e: {  	_ =	shalt  }
0x5f: {  	_ =	shalt  }
0x60: {  	_ =	shalt  }
0x61: {  	_ =	shalt  }
0x62: {  	_ =	shalt  }
0x63: {  	_ =	shalt  }
0x64: {  	_ =	shalt  }
0x65: {  	_ =	shalt  }
0x66: {  	_ =	shalt  }
0x67: {  	_ =	shalt  }
0x68: {  	_ =	shalt  }
0x69: {  	_ =	shalt  }
0x6a: {  	_ =	shalt  }
0x6b: {  	_ =	shalt  }
0x6c: {  	_ =	shalt  }
0x6d: {  	_ =	shalt  }
0x6e: {  	_ =	shalt  }
0x6f: {  	_ =	shalt  }
0x70: {  	_ =	shalt  }
0x71: {  	_ =	shalt  }
0x72: {  	_ =	shalt  }
0x73: {  	_ =	shalt  }
0x74: {  	_ =	shalt  }
0x75: {  	_ =	shalt  }
0x76: {  	_ =	shalt  }
0x77: {  	_ =	shalt  }
0x78: {  	_ =	shalt  }
0x79: {  	_ =	shalt  }
0x7a: {  	_ =	shalt  }
0x7b: {  	_ =	shalt  }
0x7c: {  	_ =	shalt  }
0x7d: {  	_ =	shalt  }
0x7e: {  	_ =	shalt  }
0x7f: {  	_ =	shalt  }
0x80: {  	_ =	shalt  }
0x81: {  	_ =	shalt  }
0x82: {  	_ =	shalt  }
0x83: {  	_ =	shalt  }
0x84: {  	_ =	shalt  }
0x85: {  	_ =	shalt  }
0x86: {  	_ =	shalt  }
0x87: {  	_ =	shalt  }
.Lfunc_end0:
.L_simem_size_0:
called_computation_lowered:
.L_overlay_start_0:
0x88: {  	s2 =	sld [smem:$0x3FD9]  }
0x89: {  	s3 =	sld [smem:$0x3FFE];
	_ =	sdelay $0x1  }
0x8a: {  	s1 =	srdreg.scid  }
0x8b: {  	s0 =	sand.u32 $0x1, s1  }
0x8c: {  	s14 =	sshll.u32 s0, $0xA;
	s2 =	sadd.s32 s3, s2  }
0x8d: {  	s2 =	sadd.s32 s2, s14  }
0x8e: {  	[smem:$0x3FC3] =	sst s2  }
0x8f: {  	_ = 	snop  }
0x90: {  	s2 =	sld [smem:$0x3FD0]  }
0x91: {  	s15 =	sld [smem:$0x3FC9]  }
0x92: {  	s4 =	sld [smem:$0x3FC8]  }
0x93: {  	s6 =	simm.s32 $0xA;
	s7 =	simm.s32 $0x10;
	s5 =	sld [smem:$0x3FC7]  }
0x94: {  	[smem:s7], [sflag:s6] =	dma.local [hbm:s2], $0x1  }
0x95: {  	_ =	swait.eq [sflag:s6], $0x1  }
0x96: {  	[sflag:s6] =	ssyncset.done $0x0  }
0x97: {  	s16 =	sld [smem:$0x11];
	[sflag:s6] =	ssyncadd.s32 $0xFFFFFFFF  }
0x98: {  	s17 =	sld [smem:$0x12];
	(tm) =	ssettm $0x1  }
0x99: {  	s18 =	sld [smem:$0x3FFB];
	_ =	sdelay $0x3  }
0x9a: {  	_ =	strace s18  }
0x9b: {  	s7 =	sld [smem:$0x3FFC];
	_ =	sdelay $0x3  }
0x9c: {  	_ =	strace s7  }
0x9d: {  	s7 =	sld [smem:$0x3FFD];
	_ =	sdelay $0x3  }
0x9e: {  	_ =	strace s7  }
0x9f: {  	_ =	strace $0x8FFFFFFF  }
0xa0: {  	s19 =	sld [smem:$0x3FDB];
	_ =	sdelay $0x1  }
0xa1: {  	s8 =	simm.s32 $_scs_section_size  }
0xa2: {  	s9 =	simm.s32 $_size__tile_overlayer_lowered;
	s10 =	simm.s32 $_tile_overlayer_lowered  }
0xa3: {  	s22 =	simm.s32 $0x1BFF;
	s21 =	sshll.u32 s10, $0x1;
	s7 =	sadd.s32 s8, s19  }
0xa4: {  	s11 =	simm.s32 $0x0;
	s20 =	sshll.u32 s9, $0x1;
	s9 =	sadd.s32 s21, s7  }
0xa5: {  	[timem:s11], [sflag:s22] =	dma.local [hbm:s9], s20  }
0xa6: {  	_ =	swait.ge [sflag:s22], s20  }
0xa7: {  	s8 =	ssub.s32 $0x0, s20;
	[sflag:s22] =	ssyncset.done $0x0  }
0xa8: {  	[sflag:s22] =	ssyncadd.s32 s8;
	_ =	sdelay $0x1  }
0xa9: {  	s23 =	simm.s32 $0x1B8B  }
0xaa: {  	_ =	swait.ge [sflag:s23], $0x1  }
0xab: {  	[sflag:s23] =	ssyncset.done $0x0  }
0xac: {  	s25 =	simm.s32 $0x1B8E;
	s24 =	sld [smem:$0x3FFE];
	[sflag:s23] =	ssyncadd.s32 $0xFFFFFFFF  }
0xad: {  	s26 =	simm.s32 $execute0_lowered;
	[smem:$0x3FD2] =	sst s25  }
0xae: {  	s9 =	sshll.u32 s26, $0x1;
	_ =	strace $0x80000046;
	[dreg:$0x1] =	wrdreg $0xFFFFFFFF  }
0xaf: {  	s28 =	simm.s32 $_size_execute0_lowered;
	s7 =	sadd.s32 s7, s9;
	[dreg:$0x0] =	wrdreg $0x0  }
0xb0: {  	s9 =	sshll.u32 s28, $0x1;
	[dreg:$0x2] =	wrdreg s7  }
0xb1: {  	[dreg:$0x3] =	wrdreg s9  }
0xb2: {  	[dreg:$0x4] =	wrdreg $0xC0  }
0xb3: {  	_ =	task [dreg:s11], $0x5FFFF  }
0xb4: {  	[dreg:$0x1] =	wrdreg $0xFFFFFFFF  }
0xb5: {  	[dreg:$0x0] =	wrdreg $0x60  }
0xb6: {  	[dreg:$0x2] =	wrdreg s15  }
0xb7: {  	[dreg:$0x3] =	wrdreg s4  }
0xb8: {  	[dreg:$0x4] =	wrdreg s5  }
0xb9: {  	[dreg:$0x5] =	wrdreg s24  }
0xba: {  	[dreg:$0x6] =	wrdreg s17  }
0xbb: {  	[dreg:$0x7] =	wrdreg s16  }
0xbc: {  	[dreg:$0x8] =	wrdreg $0x9  }
0xbd: {  	_ =	task.clear_ibuf [dreg:s11], $0x9FFFF;
	_ =	strace $0x90000046  }
0xbe: {  	s29 =	simm.s32 $0x9;
	_ =	strace $0x80000048  }
0xbf: {  	_ =	swait.ge [sflag:s29], $0x1  }
0xc0: {  	[sflag:s29] =	ssyncadd.s32 $0xFFFFFFFF  }
0xc1: {  	_ =	strace $0x90000048  }
0xc2: {  	_ =	sfence  }
0xc3: {  	s30 =	sld [smem:$0x0];
	_ =	sdelay $0x2  }
0xc4: {  	s31 =	sshll.u32 s1, $0xD;
	s1 =	sshrl.u32 s1, $0x2  }
0xc5: {  	s3 =	sand.u32 $0x4000, s31;
	s1 =	sadd.s32 s1, s30  }
0xc6: {  	s0 =	sor.u32 s3, s0;
	s1 =	sshll.u32 s1, $0x11  }
0xc7: {  	s0 =	sor.u32 s1, s0  }
0xc8: {  	s0 =	sadd.s32 $0x8F2B, s0  }
0xc9: {  	[sflag:s0] =	ssyncadd.remote.s32 $0x1  }
0xca: {  	_ =	sfence.sel $0xFFFF  }
0xcb: {  	[dreg:$0x0] =	wrdreg $0xFFFFFFFF;
	(pc) =	sbr.abs _section_cstart, $3  }
0xcc: {  	[dreg:$0x1] =	wrdreg $0xFFFFFFFF  }
0xcd: {  	_ =	task.clear_ibuf [dreg:s11], $0x2FFFF;
	_ =	strace $0x9FFFFFFF  }
0xce: {  	(tm) =	ssettm $0x7FFFFFFF  }
0xcf: {  	_ =	shalt  }
tec
execute0_lowered:
.L_overlay_start_1:
0x0: {  	(tag) =	ssettag $0x1  }
0x1: {  	s0 =	rddreg [dreg:$0x0]  }
0x2: {  	s1 =	rddreg [dreg:$0x1]  }
0x3: {  	s3 =	rddreg [dreg:$0x2]  }
0x4: {  	s5 =	rddreg [dreg:$0x3]  }
0x5: {  	s6 =	rddreg [dreg:$0x4]  }
0x6: {  	s8 =	rddreg [dreg:$0x5]  }
0x7: {  	s16 =	rddreg [dreg:$0x6]  }
0x8: {  	s4 =	srdreg.scid;
	s7 =	stileid.u32;
	s2 =	simm.s32 $0x0  }
0x9: {  	s18 =	simm.s32 $0x180;
	s19 =	simm.s32 $0x3600;
	s20 =	simm.s32 $0x280  }
0xa: {  	s21 =	simm.s32 $0x5600;
	s22 =	simm.s32 $0x300;
	s23 =	simm.s32 $0x6600  }
0xb: {  	s28 =	simm.s32 $0x9600;
	s29 =	simm.s32 $0x500;
	s30 =	simm.s32 $0xA600  }
0xc: {  	p0 =	por $0x0, $0x0;
	s31 =	simm.s32 $0x580;
	s9 =	sand.u32 $0x1, s4  }
0xd: {  	s24 =	sshll.u32 s7, $0x1;
	[smem:$0x7FF] =	sst s2;
	s7 =	sadd.s32 $0xF43000, s5  }
0xe: {  	s4 =	sadd.s32 $0x1313A00, s5;
	s10 =	sor.u32 s9, s24;
	_ =	strace $0x80000047  }
0xf: {  	s24 =	simm.s32 $0x380;
	s11 =	sshll.u32 s10, $0x6;
	s10 =	sshll.u32 s10, $0xB  }
0x10: {  	s0 =	sadd.s32 s0, s11;
	s25 =	sadd.s32 s1, s11;
	s26 =	sadd.s32 s10, s5  }
0x11: {  	s5 =	sadd.s32 s3, s11;
	s11 =	ssub.s32 $0x2, s9;
	[dreg:$0x7] =	wrdreg s0  }
0x12: {  	s12 =	sadd.s32 s6, s10;
	s14 =	sadd.s32 s8, s10;
	[dreg:$0x8] =	wrdreg s25  }
0x13: {  	s9 =	simm.s32 $0x600;
	s6 =	simm.s32 $0x4600;
	[dreg:$0x9] =	wrdreg s5  }
0x14: {  	s10 =	simm.s32 $0x2;
	s13 =	sshrl.u32 s11, $0x1;
	[dreg:$0xa] =	wrdreg s12  }
0x15: {  	s8 =	simm.s32 $0x3;
	[dreg:$0xb] =	wrdreg s14;
	s3 =	ssub.s32 s11, s13  }
0x16: {  	s15 =	sadd.s32 $0xC00, s26;
	s14 =	simm.s32 $0x5;
	s17 =	smax.u32 s3, $0x1  }
0x17: {  	s12 =	simm.s32 $0x400;
	s25 =	simm.s32 $0x1600;
	p1 =	sne.s32 s17, $0x1  }
.Ltmp0:
0x18: {  	s26 =	simm.s32 $0x100;
	[dreg:$0xc] =	wrdreg s15;
	(pc) =	sbr.rel @!p1 .LBB2_1-.Ltmp0, $4  }
0x19: {  	s5 =	simm.s32 $0x4;
	s13 =	simm.s32 $0x200;
	[dreg:$0xd] =	wrdreg s25  }
0x1a: {  	s11 =	simm.s32 $0x80;
	[dreg:$0xe] =	wrdreg s26;
	s25 =	simm.s32 $0x7600  }
0x1b: {  	s26 =	simm.s32 $0x480;
	s15 =	simm.s32 $0x1;
	s1 =	rddreg [dreg:$0x7]  }
0x1c: {  	s3 =	simm.s32 $0x8600;
	s0 =	sadd.s32 $0xFFFFFFFF, s17;
	s17 =	simm.s32 $0xB600  }
0x1d: {  	[tilespmem:s2], [sflag:$0x5] =	stream.linear.gather [hbm4b:s1+s2], $0x200, $0x38;
	[tilespmem:$0xC600] =	vst v63  }
0x1e: {  	_ =	swait.ge [sflag:s14], $0x200  }
0x1f: {  	[sflag:s14] =	ssyncset.done $0x0  }
0x20: {  	s16 =	rddreg [dreg:$0x8];
	[sflag:s14] =	ssyncadd.s32 $0xFFFFFE00  }
0x21: {  	[tilespmem:s13], [sflag:$0x5] =	stream.linear.gather [hbm4b:s16+s2], $0x200, $0x38;
	[tilespmem:$0xC600] =	vst v63  }
0x22: {  	_ =	swait.ge [sflag:s14], $0x200  }
0x23: {  	[sflag:s14] =	ssyncset.done $0x0  }
0x24: {  	s16 =	rddreg [dreg:$0x9];
	[sflag:s14] =	ssyncadd.s32 $0xFFFFFE00  }
0x25: {  	[tilespmem:s12], [sflag:$0x5] =	stream.linear.gather [hbm4b:s16+s2], $0x200, $0x38;
	[tilespmem:$0xC600] =	vst v63  }
0x26: {  	_ =	swait.ge [sflag:s14], $0x200  }
0x27: {  	[sflag:s14] =	ssyncset.done $0x0  }
0x28: {  	[sflag:s14] =	ssyncadd.s32 $0xFFFFFE00  }
0x29: {  	[tilespmem:s9], [sflag:$0x1] =	stream.indirect.gather [hbm4b:s7+s11], $0x20, s2, s11, $0xb8;
	[tilespmem:$0xC600] =	vst v63  }
0x2a: {  	s1 =	rddreg [dreg:$0xd]  }
0x2b: {  	[tilespmem:s1], [sflag:$0x1] =	stream.indirect.gather [hbm4b:s7+s11], $0x20, s11, s11, $0xb8;
	[tilespmem:$0xC600] =	vst v63  }
0x2c: {  	s16 =	smov.u32 s0;
	s0 =	rddreg [dreg:$0xe];
	s1 =	simm.s32 $0x2600  }
0x2d: {  	[tilespmem:s1], [sflag:$0x1] =	stream.indirect.gather [hbm4b:s7+s11], $0x20, s0, s11, $0xb8;
	[tilespmem:$0xC600] =	vst v63  }
0x2e: {  	_ = 	snop  }
0x2f: {  	[tilespmem:s19], [sflag:$0x1] =	stream.indirect.gather [hbm4b:s7+s11], $0x20, s18, s11, $0xb8;
	[tilespmem:$0xC600] =	vst v63  }
0x30: {  	_ = 	snop  }
0x31: {  	[tilespmem:s6], [sflag:$0x2] =	stream.indirect.gather [hbm4b:s4+s11], $0x20, s13, s11, $0xb8;
	[tilespmem:$0xC600] =	vst v63  }
0x32: {  	_ = 	snop  }
0x33: {  	[tilespmem:s21], [sflag:$0x2] =	stream.indirect.gather [hbm4b:s4+s11], $0x20, s20, s11, $0xb8;
	[tilespmem:$0xC600] =	vst v63  }
0x34: {  	_ = 	snop  }
0x35: {  	[tilespmem:s23], [sflag:$0x2] =	stream.indirect.gather [hbm4b:s4+s11], $0x20, s22, s11, $0xb8;
	[tilespmem:$0xC600] =	vst v63  }
0x36: {  	_ = 	snop  }
0x37: {  	[tilespmem:s25], [sflag:$0x2] =	stream.indirect.gather [hbm4b:s4+s11], $0x20, s24, s11, $0xb8;
	[tilespmem:$0xC600] =	vst v63  }
0x38: {  	_ = 	snop  }
0x39: {  	[tilespmem:s3], [sflag:$0x3] =	stream.indirect.gather [hbm4b:s4+s11], $0x20, s12, s11, $0xb8;
	[tilespmem:$0xC600] =	vst v63  }
0x3a: {  	_ = 	snop  }
0x3b: {  	[tilespmem:s28], [sflag:$0x3] =	stream.indirect.gather [hbm4b:s4+s11], $0x20, s26, s11, $0xb8;
	[tilespmem:$0xC600] =	vst v63  }
0x3c: {  	_ = 	snop  }
0x3d: {  	[tilespmem:s30], [sflag:$0x3] =	stream.indirect.gather [hbm4b:s4+s11], $0x20, s29, s11, $0xb8;
	[tilespmem:$0xC600] =	vst v63  }
0x3e: {  	_ = 	snop  }
0x3f: {  	[tilespmem:s17], [sflag:$0x3] =	stream.indirect.gather [hbm4b:s4+s11], $0x20, s31, s11, $0xb8;
	[tilespmem:$0xC600] =	vst v63  }
0x40: {  	_ =	swait.ge [sflag:s15], $0x1000  }
0x41: {  	[sflag:s15] =	ssyncset.done $0x0  }
0x42: {  	[sflag:s15] =	ssyncadd.s32 $0xFFFFF000  }
0x43: {  	_ =	swait.ge [sflag:s15], $0x1000  }
0x44: {  	[sflag:s15] =	ssyncset.done $0x0  }
0x45: {  	[sflag:s15] =	ssyncadd.s32 $0xFFFFF000  }
0x46: {  	_ =	swait.ge [sflag:s15], $0x1000  }
0x47: {  	[sflag:s15] =	ssyncset.done $0x0  }
0x48: {  	[sflag:s15] =	ssyncadd.s32 $0xFFFFF000  }
0x49: {  	_ =	swait.ge [sflag:s15], $0x1000  }
0x4a: {  	[sflag:s15] =	ssyncset.done $0x0  }
0x4b: {  	s1 =	rddreg [dreg:$0xa];
	[sflag:s15] =	ssyncadd.s32 $0xFFFFF000  }
0x4c: {  	[hbm4b:s1+s2] =	stream.linear.scatter [tilespmem:s9], [sflag:$0x4], $0x4000, $0x38;
	[tilespmem:$0xC600] =	vst v63  }
0x4d: {  	_ =	swait.ge [sflag:s10], $0x1000  }
0x4e: {  	[sflag:s10] =	ssyncset.done $0x0  }
0x4f: {  	[sflag:s10] =	ssyncadd.s32 $0xFFFFF000  }
0x50: {  	_ =	swait.ge [sflag:s10], $0x1000  }
0x51: {  	[sflag:s10] =	ssyncset.done $0x0  }
0x52: {  	[sflag:s10] =	ssyncadd.s32 $0xFFFFF000  }
0x53: {  	_ =	swait.ge [sflag:s10], $0x1000  }
0x54: {  	[sflag:s10] =	ssyncset.done $0x0  }
0x55: {  	[sflag:s10] =	ssyncadd.s32 $0xFFFFF000  }
0x56: {  	_ =	swait.ge [sflag:s10], $0x1000  }
0x57: {  	[sflag:s10] =	ssyncset.done $0x0  }
0x58: {  	s1 =	rddreg [dreg:$0xb];
	[sflag:s10] =	ssyncadd.s32 $0xFFFFF000  }
0x59: {  	[hbm4b:s1+s2] =	stream.linear.scatter [tilespmem:s6], [sflag:$0x4], $0x4000, $0x38;
	[tilespmem:$0xC600] =	vst v63  }
0x5a: {  	_ =	swait.ge [sflag:s8], $0x1000  }
0x5b: {  	[sflag:s8] =	ssyncset.done $0x0  }
0x5c: {  	[sflag:s8] =	ssyncadd.s32 $0xFFFFF000  }
0x5d: {  	_ =	swait.ge [sflag:s8], $0x1000  }
0x5e: {  	[sflag:s8] =	ssyncset.done $0x0  }
0x5f: {  	[sflag:s8] =	ssyncadd.s32 $0xFFFFF000  }
0x60: {  	_ =	swait.ge [sflag:s8], $0x1000  }
0x61: {  	[sflag:s8] =	ssyncset.done $0x0  }
0x62: {  	[sflag:s8] =	ssyncadd.s32 $0xFFFFF000  }
0x63: {  	_ =	swait.ge [sflag:s8], $0x1000  }
0x64: {  	[sflag:s8] =	ssyncset.done $0x0  }
0x65: {  	s1 =	rddreg [dreg:$0xc];
	[sflag:s8] =	ssyncadd.s32 $0xFFFFF000  }
0x66: {  	[hbm4b:s1+s2] =	stream.linear.scatter [tilespmem:s3], [sflag:$0x4], $0x4000, $0x38;
	[tilespmem:$0xC600] =	vst v63  }
0x67: {  	_ =	swait.ge [sflag:s5], $0x4000  }
0x68: {  	[sflag:s5] =	ssyncset.done $0x0  }
0x69: {  	p1 =	sne.s32 s16, $0x1;
	[sflag:s5] =	ssyncadd.s32 $0xFFFFC000  }
.Ltmp1:
0x6a: {  	_ =	swait.ge [sflag:s5], $0x4000;
	(pc) =	sbr.rel @!p1 .LBB2_3-.Ltmp1, $4  }
0x6b: {  	[sflag:s5] =	ssyncset.done $0x0  }
0x6c: {  	[sflag:s5] =	ssyncadd.s32 $0xFFFFC000  }
0x6d: {  	p0 =	por $0x1, $0x1;
	_ =	swait.ge [sflag:s5], $0x4000  }
0x6e: {  	s0 =	sadd.s32 $0xFFFFFFFF, s16;
	s1 =	rddreg [dreg:$0x7];
	[sflag:s5] =	ssyncset.done $0x0  }
.LBB2_4:
0x6f: {  	[sflag:s5] =	ssyncadd.s32 $0xFFFFC000  }
0x70: {  	[tilespmem:s2], [sflag:$0x5] =	stream.linear.gather [hbm4b:s1+s2], $0x200, $0x38;
	[tilespmem:$0xC600] =	vst v63  }
0x71: {  	_ =	swait.ge [sflag:s14], $0x200  }
0x72: {  	[sflag:s14] =	ssyncset.done $0x0  }
0x73: {  	s16 =	rddreg [dreg:$0x8];
	[sflag:s14] =	ssyncadd.s32 $0xFFFFFE00  }
0x74: {  	[tilespmem:s13], [sflag:$0x5] =	stream.linear.gather [hbm4b:s16+s2], $0x200, $0x38;
	[tilespmem:$0xC600] =	vst v63  }
0x75: {  	_ =	swait.ge [sflag:s14], $0x200  }
0x76: {  	[sflag:s14] =	ssyncset.done $0x0  }
0x77: {  	s16 =	rddreg [dreg:$0x9];
	[sflag:s14] =	ssyncadd.s32 $0xFFFFFE00  }
0x78: {  	[tilespmem:s12], [sflag:$0x5] =	stream.linear.gather [hbm4b:s16+s2], $0x200, $0x38;
	[tilespmem:$0xC600] =	vst v63  }
0x79: {  	_ =	swait.ge [sflag:s14], $0x200  }
0x7a: {  	[sflag:s14] =	ssyncset.done $0x0  }
0x7b: {  	[sflag:s14] =	ssyncadd.s32 $0xFFFFFE00  }
0x7c: {  	[tilespmem:s9], [sflag:$0x1] =	stream.indirect.gather [hbm4b:s7+s11], $0x20, s2, s11, $0xb8;
	[tilespmem:$0xC600] =	vst v63  }
0x7d: {  	s1 =	rddreg [dreg:$0xd]  }
0x7e: {  	[tilespmem:s1], [sflag:$0x1] =	stream.indirect.gather [hbm4b:s7+s11], $0x20, s11, s11, $0xb8;
	[tilespmem:$0xC600] =	vst v63  }
0x7f: {  	s16 =	rddreg [dreg:$0xe];
	s1 =	simm.s32 $0x2600  }
0x80: {  	[tilespmem:s1], [sflag:$0x1] =	stream.indirect.gather [hbm4b:s7+s11], $0x20, s16, s11, $0xb8;
	[tilespmem:$0xC600] =	vst v63  }
0x81: {  	_ = 	snop  }
0x82: {  	[tilespmem:s19], [sflag:$0x1] =	stream.indirect.gather [hbm4b:s7+s11], $0x20, s18, s11, $0xb8;
	[tilespmem:$0xC600] =	vst v63  }
0x83: {  	_ = 	snop  }
0x84: {  	[tilespmem:s6], [sflag:$0x2] =	stream.indirect.gather [hbm4b:s4+s11], $0x20, s13, s11, $0xb8;
	[tilespmem:$0xC600] =	vst v63  }
0x85: {  	_ = 	snop  }
0x86: {  	[tilespmem:s21], [sflag:$0x2] =	stream.indirect.gather [hbm4b:s4+s11], $0x20, s20, s11, $0xb8;
	[tilespmem:$0xC600] =	vst v63  }
0x87: {  	_ = 	snop  }
0x88: {  	[tilespmem:s23], [sflag:$0x2] =	stream.indirect.gather [hbm4b:s4+s11], $0x20, s22, s11, $0xb8;
	[tilespmem:$0xC600] =	vst v63  }
0x89: {  	_ = 	snop  }
0x8a: {  	[tilespmem:s25], [sflag:$0x2] =	stream.indirect.gather [hbm4b:s4+s11], $0x20, s24, s11, $0xb8;
	[tilespmem:$0xC600] =	vst v63  }
0x8b: {  	_ = 	snop  }
0x8c: {  	[tilespmem:s3], [sflag:$0x3] =	stream.indirect.gather [hbm4b:s4+s11], $0x20, s12, s11, $0xb8;
	[tilespmem:$0xC600] =	vst v63  }
0x8d: {  	_ = 	snop  }
0x8e: {  	[tilespmem:s28], [sflag:$0x3] =	stream.indirect.gather [hbm4b:s4+s11], $0x20, s26, s11, $0xb8;
	[tilespmem:$0xC600] =	vst v63  }
0x8f: {  	_ = 	snop  }
0x90: {  	[tilespmem:s30], [sflag:$0x3] =	stream.indirect.gather [hbm4b:s4+s11], $0x20, s29, s11, $0xb8;
	[tilespmem:$0xC600] =	vst v63  }
0x91: {  	_ = 	snop  }
0x92: {  	[tilespmem:s17], [sflag:$0x3] =	stream.indirect.gather [hbm4b:s4+s11], $0x20, s31, s11, $0xb8;
	[tilespmem:$0xC600] =	vst v63  }
0x93: {  	_ =	swait.ge [sflag:s15], $0x1000  }
0x94: {  	[sflag:s15] =	ssyncset.done $0x0  }
0x95: {  	[sflag:s15] =	ssyncadd.s32 $0xFFFFF000  }
0x96: {  	_ =	swait.ge [sflag:s15], $0x1000  }
0x97: {  	[sflag:s15] =	ssyncset.done $0x0  }
0x98: {  	[sflag:s15] =	ssyncadd.s32 $0xFFFFF000  }
0x99: {  	_ =	swait.ge [sflag:s15], $0x1000  }
0x9a: {  	[sflag:s15] =	ssyncset.done $0x0  }
0x9b: {  	[sflag:s15] =	ssyncadd.s32 $0xFFFFF000  }
0x9c: {  	_ =	swait.ge [sflag:s15], $0x1000  }
0x9d: {  	[sflag:s15] =	ssyncset.done $0x0  }
0x9e: {  	s16 =	rddreg [dreg:$0xa];
	[sflag:s15] =	ssyncadd.s32 $0xFFFFF000  }
0x9f: {  	[hbm4b:s16+s2] =	stream.linear.scatter [tilespmem:s9], [sflag:$0x4], $0x4000, $0x38;
	[tilespmem:$0xC600] =	vst v63  }
0xa0: {  	_ =	swait.ge [sflag:s10], $0x1000  }
0xa1: {  	[sflag:s10] =	ssyncset.done $0x0  }
0xa2: {  	[sflag:s10] =	ssyncadd.s32 $0xFFFFF000  }
0xa3: {  	_ =	swait.ge [sflag:s10], $0x1000  }
0xa4: {  	[sflag:s10] =	ssyncset.done $0x0  }
0xa5: {  	[sflag:s10] =	ssyncadd.s32 $0xFFFFF000  }
0xa6: {  	_ =	swait.ge [sflag:s10], $0x1000  }
0xa7: {  	[sflag:s10] =	ssyncset.done $0x0  }
0xa8: {  	[sflag:s10] =	ssyncadd.s32 $0xFFFFF000  }
0xa9: {  	_ =	swait.ge [sflag:s10], $0x1000  }
0xaa: {  	[sflag:s10] =	ssyncset.done $0x0  }
0xab: {  	s16 =	rddreg [dreg:$0xb];
	[sflag:s10] =	ssyncadd.s32 $0xFFFFF000  }
0xac: {  	[hbm4b:s16+s2] =	stream.linear.scatter [tilespmem:s6], [sflag:$0x4], $0x4000, $0x38;
	[tilespmem:$0xC600] =	vst v63  }
0xad: {  	_ =	swait.ge [sflag:s8], $0x1000  }
0xae: {  	[sflag:s8] =	ssyncset.done $0x0  }
0xaf: {  	[sflag:s8] =	ssyncadd.s32 $0xFFFFF000  }
0xb0: {  	_ =	swait.ge [sflag:s8], $0x1000  }
0xb1: {  	[sflag:s8] =	ssyncset.done $0x0  }
0xb2: {  	[sflag:s8] =	ssyncadd.s32 $0xFFFFF000  }
0xb3: {  	_ =	swait.ge [sflag:s8], $0x1000  }
0xb4: {  	[sflag:s8] =	ssyncset.done $0x0  }
0xb5: {  	[sflag:s8] =	ssyncadd.s32 $0xFFFFF000  }
0xb6: {  	_ =	swait.ge [sflag:s8], $0x1000  }
0xb7: {  	[sflag:s8] =	ssyncset.done $0x0  }
0xb8: {  	s16 =	rddreg [dreg:$0xc];
	[sflag:s8] =	ssyncadd.s32 $0xFFFFF000  }
0xb9: {  	[hbm4b:s16+s2] =	stream.linear.scatter [tilespmem:s3], [sflag:$0x4], $0x4000, $0x38;
	[tilespmem:$0xC600] =	vst v63  }
0xba: {  	_ =	swait.ge [sflag:s5], $0x4000  }
0xbb: {  	[sflag:s5] =	ssyncset.done $0x0  }
0xbc: {  	p1 =	sne.s32 s0, $0x1;
	[sflag:s5] =	ssyncadd.s32 $0xFFFFC000  }
.Ltmp2:
0xbd: {  	_ =	swait.ge [sflag:s5], $0x4000;
	(pc) =	sbr.rel @p1 .LBB2_4-.Ltmp2, $4  }
0xbe: {  	[sflag:s5] =	ssyncset.done $0x0  }
0xbf: {  	[sflag:s5] =	ssyncadd.s32 $0xFFFFC000  }
0xc0: {  	_ =	swait.ge [sflag:s5], $0x4000  }
0xc1: {  	s0 =	sadd.s32 $0xFFFFFFFF, s0;
	s1 =	rddreg [dreg:$0x7];
	[sflag:s5] =	ssyncset.done $0x0  }
0xc2: {  	s31 =	simm.s32 $0x580;
	s30 =	simm.s32 $0xA600;
	s29 =	simm.s32 $0x500  }
0xc3: {  	s28 =	simm.s32 $0x9600;
	s26 =	simm.s32 $0x480;
	s25 =	simm.s32 $0x7600  }
0xc4: {  	s24 =	simm.s32 $0x380;
	s23 =	simm.s32 $0x6600;
	s22 =	simm.s32 $0x300  }
0xc5: {  	s21 =	simm.s32 $0x5600;
	s20 =	simm.s32 $0x280;
	s19 =	simm.s32 $0x3600  }
0xc6: {  	s18 =	simm.s32 $0x180;
	s17 =	simm.s32 $0x2600;
	s16 =	rddreg [dreg:$0x6]  }
.LBB2_6:
0xc7: {  	[sflag:s5] =	ssyncadd.s32 @p0 $0xFFFFC000  }
0xc8: {  	[tilespmem:s2], [sflag:$0x5] =	stream.linear.gather [hbm4b:s1+s2], $0x200, $0x38;
	[tilespmem:$0xC600] =	vst v63  }
0xc9: {  	_ =	swait.ge [sflag:s14], $0x200  }
0xca: {  	[sflag:s14] =	ssyncset.done $0x0  }
0xcb: {  	s0 =	rddreg [dreg:$0x8];
	[sflag:s14] =	ssyncadd.s32 $0xFFFFFE00  }
0xcc: {  	[tilespmem:s13], [sflag:$0x5] =	stream.linear.gather [hbm4b:s0+s2], $0x200, $0x38;
	[tilespmem:$0xC600] =	vst v63  }
0xcd: {  	_ =	swait.ge [sflag:s14], $0x200  }
0xce: {  	[sflag:s14] =	ssyncset.done $0x0  }
0xcf: {  	s1 =	rddreg [dreg:$0x9];
	[sflag:s14] =	ssyncadd.s32 $0xFFFFFE00  }
0xd0: {  	[tilespmem:s12], [sflag:$0x5] =	stream.linear.gather [hbm4b:s1+s2], $0x200, $0x38;
	[tilespmem:$0xC600] =	vst v63  }
0xd1: {  	_ =	swait.ge [sflag:s14], $0x200  }
0xd2: {  	[sflag:s14] =	ssyncset.done $0x0  }
0xd3: {  	[sflag:s14] =	ssyncadd.s32 $0xFFFFFE00  }
0xd4: {  	[tilespmem:s9], [sflag:$0x1] =	stream.indirect.gather [hbm4b:s7+s11], $0x20, s2, s11, $0xb8;
	[tilespmem:$0xC600] =	vst v63  }
0xd5: {  	s1 =	rddreg [dreg:$0xd]  }
0xd6: {  	[tilespmem:s1], [sflag:$0x1] =	stream.indirect.gather [hbm4b:s7+s11], $0x20, s11, s11, $0xb8;
	[tilespmem:$0xC600] =	vst v63  }
0xd7: {  	s14 =	rddreg [dreg:$0xe]  }
0xd8: {  	[tilespmem:s17], [sflag:$0x1] =	stream.indirect.gather [hbm4b:s7+s11], $0x20, s14, s11, $0xb8;
	[tilespmem:$0xC600] =	vst v63  }
0xd9: {  	_ = 	snop  }
0xda: {  	[tilespmem:s19], [sflag:$0x1] =	stream.indirect.gather [hbm4b:s7+s11], $0x20, s18, s11, $0xb8;
	[tilespmem:$0xC600] =	vst v63  }
0xdb: {  	_ = 	snop  }
0xdc: {  	[tilespmem:s6], [sflag:$0x2] =	stream.indirect.gather [hbm4b:s4+s11], $0x20, s13, s11, $0xb8;
	[tilespmem:$0xC600] =	vst v63  }
0xdd: {  	_ = 	snop  }
0xde: {  	[tilespmem:s21], [sflag:$0x2] =	stream.indirect.gather [hbm4b:s4+s11], $0x20, s20, s11, $0xb8;
	[tilespmem:$0xC600] =	vst v63  }
0xdf: {  	_ = 	snop  }
0xe0: {  	[tilespmem:s23], [sflag:$0x2] =	stream.indirect.gather [hbm4b:s4+s11], $0x20, s22, s11, $0xb8;
	[tilespmem:$0xC600] =	vst v63  }
0xe1: {  	_ = 	snop  }
0xe2: {  	[tilespmem:s25], [sflag:$0x2] =	stream.indirect.gather [hbm4b:s4+s11], $0x20, s24, s11, $0xb8;
	[tilespmem:$0xC600] =	vst v63  }
0xe3: {  	_ = 	snop  }
0xe4: {  	[tilespmem:s3], [sflag:$0x3] =	stream.indirect.gather [hbm4b:s4+s11], $0x20, s12, s11, $0xb8;
	[tilespmem:$0xC600] =	vst v63  }
0xe5: {  	_ = 	snop  }
0xe6: {  	[tilespmem:s28], [sflag:$0x3] =	stream.indirect.gather [hbm4b:s4+s11], $0x20, s26, s11, $0xb8;
	[tilespmem:$0xC600] =	vst v63  }
0xe7: {  	_ = 	snop  }
0xe8: {  	[tilespmem:s30], [sflag:$0x3] =	stream.indirect.gather [hbm4b:s4+s11], $0x20, s29, s11, $0xb8;
	[tilespmem:$0xC600] =	vst v63  }
0xe9: {  	s26 =	simm.s32 $0xB600  }
0xea: {  	[tilespmem:s26], [sflag:$0x3] =	stream.indirect.gather [hbm4b:s4+s11], $0x20, s31, s11, $0xb8;
	[tilespmem:$0xC600] =	vst v63  }
0xeb: {  	_ =	swait.ge [sflag:s15], $0x1000  }
0xec: {  	[sflag:s15] =	ssyncset.done $0x0  }
0xed: {  	[sflag:s15] =	ssyncadd.s32 $0xFFFFF000  }
0xee: {  	_ =	swait.ge [sflag:s15], $0x1000  }
0xef: {  	[sflag:s15] =	ssyncset.done $0x0  }
0xf0: {  	[sflag:s15] =	ssyncadd.s32 $0xFFFFF000  }
0xf1: {  	_ =	swait.ge [sflag:s15], $0x1000  }
0xf2: {  	[sflag:s15] =	ssyncset.done $0x0  }
0xf3: {  	[sflag:s15] =	ssyncadd.s32 $0xFFFFF000  }
0xf4: {  	_ =	swait.ge [sflag:s15], $0x1000  }
0xf5: {  	[sflag:s15] =	ssyncset.done $0x0  }
0xf6: {  	s28 =	rddreg [dreg:$0xa];
	[sflag:s15] =	ssyncadd.s32 $0xFFFFF000  }
0xf7: {  	[hbm4b:s28+s2] =	stream.linear.scatter [tilespmem:s9], [sflag:$0x4], $0x4000, $0x38;
	[tilespmem:$0xC600] =	vst v63  }
0xf8: {  	_ =	swait.ge [sflag:s10], $0x1000  }
0xf9: {  	[sflag:s10] =	ssyncset.done $0x0  }
0xfa: {  	[sflag:s10] =	ssyncadd.s32 $0xFFFFF000  }
0xfb: {  	_ =	swait.ge [sflag:s10], $0x1000  }
0xfc: {  	[sflag:s10] =	ssyncset.done $0x0  }
0xfd: {  	[sflag:s10] =	ssyncadd.s32 $0xFFFFF000  }
0xfe: {  	_ =	swait.ge [sflag:s10], $0x1000  }
0xff: {  	[sflag:s10] =	ssyncset.done $0x0  }
0x100: {  	[sflag:s10] =	ssyncadd.s32 $0xFFFFF000  }
0x101: {  	_ =	swait.ge [sflag:s10], $0x1000  }
0x102: {  	[sflag:s10] =	ssyncset.done $0x0  }
0x103: {  	s29 =	rddreg [dreg:$0xb];
	[sflag:s10] =	ssyncadd.s32 $0xFFFFF000  }
0x104: {  	[hbm4b:s29+s2] =	stream.linear.scatter [tilespmem:s6], [sflag:$0x4], $0x4000, $0x38;
	[tilespmem:$0xC600] =	vst v63  }
0x105: {  	_ =	swait.ge [sflag:s8], $0x1000  }
0x106: {  	[sflag:s8] =	ssyncset.done $0x0  }
0x107: {  	[sflag:s8] =	ssyncadd.s32 $0xFFFFF000  }
0x108: {  	_ =	swait.ge [sflag:s8], $0x1000  }
0x109: {  	[sflag:s8] =	ssyncset.done $0x0  }
0x10a: {  	[sflag:s8] =	ssyncadd.s32 $0xFFFFF000  }
0x10b: {  	_ =	swait.ge [sflag:s8], $0x1000  }
0x10c: {  	[sflag:s8] =	ssyncset.done $0x0  }
0x10d: {  	[sflag:s8] =	ssyncadd.s32 $0xFFFFF000  }
0x10e: {  	_ =	swait.ge [sflag:s8], $0x1000  }
0x10f: {  	[sflag:s8] =	ssyncset.done $0x0  }
0x110: {  	s30 =	rddreg [dreg:$0xc];
	[sflag:s8] =	ssyncadd.s32 $0xFFFFF000  }
0x111: {  	[hbm4b:s30+s2] =	stream.linear.scatter [tilespmem:s3], [sflag:$0x4], $0x4000, $0x38;
	[tilespmem:$0xC600] =	vst v63  }
0x112: {  	_ =	swait.ge [sflag:s5], $0x4000  }
0x113: {  	[sflag:s5] =	ssyncset.done $0x0  }
0x114: {  	[sflag:s5] =	ssyncadd.s32 $0xFFFFC000  }
0x115: {  	_ =	swait.ge [sflag:s5], $0x4000  }
0x116: {  	[sflag:s5] =	ssyncset.done $0x0  }
0x117: {  	[sflag:s5] =	ssyncadd.s32 $0xFFFFC000  }
0x118: {  	_ =	swait.ge [sflag:s5], $0x4000  }
0x119: {  	[sflag:s5] =	ssyncset.done $0x0  }
0x11a: {  	[sflag:s5] =	ssyncadd.s32 $0xFFFFC000  }
0x11b: {  	_ =	sfence.sel $0x180000  }
0x11c: {  	s31 =	stileid.u32;
	[bflag:$0x0] =	sbarrier.arrive $0xFFFF  }
0x11d: {  	p0 =	sne.s32 s31, $0x0;
	_ =	strace $0x90000047  }
0x11e: {  	s0 =	sadd.s32 @!p0 $0x100000, s16;
	[bflag:$0x2] =	sbarrier.arrive $0xFFFF  }
0x11f: {  	[sflag:s0] =	ssyncadd.tile.s32 @!p0 $0x1;
	_ =	shalt  }
.LBB2_1:
.Ltmp3:
0x120: {  	s31 =	simm.s32 $0x580;
	s30 =	simm.s32 $0xA600;
	(pc) =	sbr.rel .LBB2_6-.Ltmp3, $4  }
0x121: {  	s29 =	simm.s32 $0x500;
	s28 =	simm.s32 $0x9600;
	s26 =	simm.s32 $0x480  }
0x122: {  	s25 =	simm.s32 $0x7600;
	s24 =	simm.s32 $0x380;
	s23 =	simm.s32 $0x6600  }
0x123: {  	s22 =	simm.s32 $0x300;
	s21 =	simm.s32 $0x5600;
	s20 =	simm.s32 $0x280  }
0x124: {  	s19 =	simm.s32 $0x3600;
	s18 =	simm.s32 $0x180;
	s17 =	simm.s32 $0x2600  }
.LBB2_3:
0x125: {  	s31 =	simm.s32 $0x580  }
.Ltmp4:
0x126: {  	s30 =	simm.s32 $0xA600;
	s29 =	simm.s32 $0x500;
	(pc) =	sbr.rel .LBB2_6-.Ltmp4, $4  }
0x127: {  	s28 =	simm.s32 $0x9600;
	s26 =	simm.s32 $0x480;
	s25 =	simm.s32 $0x7600  }
0x128: {  	s24 =	simm.s32 $0x380;
	s23 =	simm.s32 $0x6600;
	s22 =	simm.s32 $0x300  }
0x129: {  	s21 =	simm.s32 $0x5600;
	s20 =	simm.s32 $0x280;
	s19 =	simm.s32 $0x3600  }
0x12a: {  	s18 =	simm.s32 $0x180;
	s17 =	simm.s32 $0x2600;
	s16 =	rddreg [dreg:$0x6]  }
.Lfunc_end2:
_tile_overlayer_lowered:
.L_overlay_start_2:
0x12b: {  	(tag) =	ssettag $0x2  }
0x12c: {  	s0 =	rddreg [dreg:$0x0];
	s2 =	stileid.u32  }
0x12d: {  	s1 =	rddreg [dreg:$0x1];
	p0 =	sne.s32 s2, $0x0  }
0x12e: {  	s3 =	rddreg [dreg:$0x2];
	[bflag:$0x3] =	sbarrier.arrive $0xFFFF;
	s2 =	simm.s32 @!p0 $0x1C05  }
0x12f: {  	[timem:s3], [sflag:s2] =	dma.local @!p0 [hbm:s0], s1  }
0x130: {  	s0 =	simm.s32 @!p0 $0x5  }
0x131: {  	_ =	swait.ge @!p0 [sflag:s0], s1  }
0x132: {  	s1 =	ssub.s32 @!p0 $0x0, s1;
	[sflag:s0] =	ssyncset.done @!p0 $0x0  }
0x133: {  	[sflag:s0] =	ssyncadd.s32 @!p0 s1  }
0x134: {  	[bflag:$0x3] =	sbarrier.arrive $0xFFFF  }
0x135: {  	_ =	shalt  }

</sc_bundles>
